<compile_context>
chip_gen: v7x
topology: tpu7x:2x2x1
jax: 0.10.2.dev20260603
libtpu: 0.0.44.dev20260713+nightly
codegen_flags: <defaults>
</compile_context>

<pallas_src>
import functools

import jax
import jax.numpy as jnp
from jax import lax
from jax.experimental import pallas as pl
from jax.experimental.pallas import tpu as pltpu
from jax.experimental.pallas import tpu_sc as plsc

NC = 2
NS = 16
CH = 125


def _make_sc_agg(n_nodes, n_edges, feat2, with_deg):
    e_w = n_edges // NS
    n_ch = e_w // CH
    rpt = (n_nodes // NS) & ~7
    rem = n_nodes - rpt * NS

    out_type = [jax.ShapeDtypeStruct((NC, n_nodes, feat2), jnp.float32)]
    scratch = [
        pltpu.VMEM((n_ch, CH), jnp.int32),
        pltpu.VMEM((n_ch, CH), jnp.int32),
    ] + [pltpu.VMEM((CH, feat2), jnp.float32) for _ in range(4)] + [
        pltpu.VMEM_SHARED((n_nodes, feat2), jnp.float32),
    ] + [pltpu.SemaphoreType.DMA for _ in range(8)]
    if with_deg:
        out_type.append(jax.ShapeDtypeStruct((NC, n_nodes, 16), jnp.float32))
        scratch += [
            pltpu.VMEM((CH, 16), jnp.float32),
            pltpu.VMEM_SHARED((n_nodes, 16), jnp.float32),
            pltpu.SemaphoreType.DMA,
            pltpu.SemaphoreType.DMA,
        ]

    mesh = plsc.VectorSubcoreMesh(core_axis_name="c", subcore_axis_name="s")

    half = n_ch // NC

    def body(g_hbm, src_hbm, dst_hbm, zf_hbm, *rest):
        if with_deg:
            (ones_hbm, z16_hbm, out_hbm, deg_hbm, si, di,
             r0, r1, r2, r3, acc, g0, g1, g2, g3, s0, s1, s2, s3,
             ones_v, dacc, d0, d1) = rest
            dsem = (d0, d1)
        else:
            (out_hbm, si, di, r0, r1, r2, r3, acc,
             g0, g1, g2, g3, s0, s1, s2, s3) = rest
        rows = (r0, r1, r2, r3)
        gsem = (g0, g1, g2, g3)
        ssem = (s0, s1, s2, s3)
        c = lax.axis_index("c")
        s = lax.axis_index("s")
        pro = [
            pltpu.async_copy(src_hbm.at[s], si, gsem[0]),
            pltpu.async_copy(dst_hbm.at[s], di, gsem[1]),
            pltpu.async_copy(zf_hbm.at[pl.ds(0, rpt)],
                             acc.at[pl.ds(s * rpt, rpt)], gsem[2]),
        ]
        if with_deg:
            pro.append(pltpu.async_copy(ones_hbm, ones_v, gsem[3]))
            pro.append(pltpu.async_copy(z16_hbm.at[pl.ds(0, rpt)],
                                        dacc.at[pl.ds(s * rpt, rpt)], dsem[0]))
        for d in pro:
            d.wait()

        @pl.when(s == NS - 1)
        def _zero_tail():
            pltpu.sync_copy(zf_hbm.at[pl.ds(0, rem)],
                            acc.at[pl.ds(NS * rpt, rem)])
            if with_deg:
                pltpu.sync_copy(z16_hbm.at[pl.ds(0, rem)],
                                dacc.at[pl.ds(NS * rpt, rem)])

        plsc.subcore_barrier()

        g_half = g_hbm.at[c]

        def wait_gather(j, b):
            pltpu.make_async_copy(
                g_half.at[si.at[j]], rows[b], gsem[b]).wait()

        def wait_scatter(j, b):
            pltpu.make_async_copy(rows[b], acc.at[di.at[j]], ssem[b]).wait()

        for b in range(2):
            pltpu.async_copy(g_half.at[si.at[b]], rows[b], gsem[b])

        def step(t, carry):
            for b4 in range(4):
                j = 4 * t + b4
                b = b4 % 4
                wait_gather(j, b)
                pltpu.async_copy(rows[b], acc.at[di.at[j]], ssem[b], add=True)
                if with_deg:
                    @pl.when((j >= c * half) & (j < (c + 1) * half))
                    def _deg_add():
                        @pl.when(j >= c * half + 2)
                        def _deg_drain():
                            pltpu.make_async_copy(
                                ones_v, dacc.at[di.at[j - 2]],
                                dsem[b % 2]).wait()

                        pltpu.async_copy(ones_v, dacc.at[di.at[j]],
                                         dsem[b % 2], add=True)

                nb = (b + 2) % 4

                @pl.when(j + 2 < n_ch)
                def _next_gather():
                    @pl.when(j >= 2)
                    def _drain_prev():
                        wait_scatter(j - 2, nb)

                    pltpu.async_copy(
                        g_half.at[si.at[j + 2]], rows[nb], gsem[nb])
            return carry

        lax.fori_loop(0, n_ch // 4, step, 0)
        for k in range(4):
            j = n_ch - 4 + k
            wait_scatter(j, j % 4)
        if with_deg:
            for k in range(2):
                pltpu.make_async_copy(ones_v, dacc.at[di.at[k]],
                                      dsem[k]).wait()
        plsc.subcore_barrier()

        sl = pl.ds(s * rpt, rpt)
        pltpu.sync_copy(acc.at[sl], out_hbm.at[c, sl])
        if with_deg:
            pltpu.sync_copy(dacc.at[sl], deg_hbm.at[c, sl])

        @pl.when(s == NS - 1)
        def _write_tail():
            tl = pl.ds(NS * rpt, rem)
            pltpu.sync_copy(acc.at[tl], out_hbm.at[c, tl])
            if with_deg:
                pltpu.sync_copy(dacc.at[tl], deg_hbm.at[c, tl])

    return pl.kernel(
        body, out_type=out_type, mesh=mesh, scratch_types=scratch,
        compiler_params=pltpu.CompilerParams(use_tc_tiling_on_sc=False))


def _make_sc_agg_es(n_nodes, n_edges, feat):
    e_w = n_edges // (NC * NS)
    n_ch = e_w // CH
    rpt = (n_nodes // NS) & ~7
    rem = n_nodes - rpt * NS

    out_type = [jax.ShapeDtypeStruct((NC, n_nodes, feat), jnp.float32)]
    scratch = [
        pltpu.VMEM((n_ch, CH), jnp.int32),
        pltpu.VMEM((n_ch, CH), jnp.int32),
    ] + [pltpu.VMEM((CH, feat), jnp.float32) for _ in range(4)] + [
        pltpu.VMEM_SHARED((n_nodes, feat), jnp.float32),
    ] + [pltpu.SemaphoreType.DMA for _ in range(8)]

    mesh = plsc.VectorSubcoreMesh(core_axis_name="c", subcore_axis_name="s")

    def body(g_hbm, src_hbm, dst_hbm, zf_hbm, out_hbm, si, di,
             r0, r1, r2, r3, acc, g0, g1, g2, g3, s0, s1, s2, s3):
        rows = (r0, r1, r2, r3)
        gsem = (g0, g1, g2, g3)
        ssem = (s0, s1, s2, s3)
        c = lax.axis_index("c")
        s = lax.axis_index("s")
        pro = [
            pltpu.async_copy(src_hbm.at[c, s], si, gsem[0]),
            pltpu.async_copy(dst_hbm.at[c, s], di, gsem[1]),
            pltpu.async_copy(zf_hbm.at[pl.ds(0, rpt)],
                             acc.at[pl.ds(s * rpt, rpt)], gsem[2]),
        ]
        for d in pro:
            d.wait()

        @pl.when(s == NS - 1)
        def _zero_tail():
            pltpu.sync_copy(zf_hbm.at[pl.ds(0, rem)],
                            acc.at[pl.ds(NS * rpt, rem)])

        plsc.subcore_barrier()

        def wait_gather(j, b):
            pltpu.make_async_copy(
                g_hbm.at[si.at[j]], rows[b], gsem[b]).wait()

        def wait_scatter(j, b):
            pltpu.make_async_copy(rows[b], acc.at[di.at[j]], ssem[b]).wait()

        for b in range(2):
            pltpu.async_copy(g_hbm.at[si.at[b]], rows[b], gsem[b])

        def step(t, carry):
            for b in range(4):
                j = 4 * t + b
                wait_gather(j, b)
                pltpu.async_copy(rows[b], acc.at[di.at[j]], ssem[b], add=True)
                nb = (b + 2) % 4

                @pl.when(j + 2 < n_ch)
                def _next_gather():
                    @pl.when(j >= 2)
                    def _drain_prev():
                        wait_scatter(j - 2, nb)

                    pltpu.async_copy(g_hbm.at[si.at[j + 2]], rows[nb], gsem[nb])
            return carry

        lax.fori_loop(0, n_ch // 4, step, 0)
        for k in range(4):
            j = n_ch - 4 + k
            wait_scatter(j, j % 4)
        plsc.subcore_barrier()
        sl = pl.ds(s * rpt, rpt)
        pltpu.sync_copy(acc.at[sl], out_hbm.at[c, sl])

        @pl.when(s == NS - 1)
        def _write_tail():
            tl = pl.ds(NS * rpt, rem)
            pltpu.sync_copy(acc.at[tl], out_hbm.at[c, tl])

    return pl.kernel(
        body, out_type=out_type, mesh=mesh, scratch_types=scratch,
        compiler_params=pltpu.CompilerParams(use_tc_tiling_on_sc=False))


def _mid_body(x_ref, ax_ref, deg_ref, ws1, b1r, wn1, wn2, ws2, wcp, b2r, bcr,
              p_out, s_out, rt_out):
    deg16 = jnp.maximum(deg_ref[0] + deg_ref[1], 1.0)
    rt_out[...] = 1.0 / deg16
    r = rt_out[:, :1]
    aggx = jnp.concatenate([ax_ref[0], ax_ref[1]], axis=1) * r
    dot = functools.partial(jnp.dot, preferred_element_type=jnp.float32)
    h = x_ref[...] @ ws1[...] + dot(aggx, wn1[...]) + b1r[...]
    h = jnp.maximum(h, 0.0)
    p = dot(dot(h, wn2[...]), wcp[...])
    sv = dot(dot(h, ws2[...]), wcp[...]) + dot(b2r[...], wcp[...]) + bcr[...]
    p_out[...] = p
    s_out[...] = sv


def _fin_body(s_ref, p2_ref, rt_ref, o_ref):
    r = rt_ref[:, :1]
    o_ref[...] = s_ref[...] + (p2_ref[0] + p2_ref[1]) * r


def kernel(x, edge_index, W_self1, W_nei1, b1, W_self2, W_nei2, b2, Wc, bc):
    n, f = x.shape
    n_edges = edge_index.shape[1]
    ncls = Wc.shape[1]
    fp = 64
    f2 = f // 2
    e_w = n_edges // NS
    n_ch = e_w // CH
    rpt_buf = -(-n // NS)

    src = edge_index[0].astype(jnp.int32).reshape(NS, n_ch, CH)
    dst = edge_index[1].astype(jnp.int32).reshape(NS, n_ch, CH)
    src_es = src.reshape(NC, NS, n_ch // NC, CH)
    dst_es = dst.reshape(NC, NS, n_ch // NC, CH)
    zf = jnp.zeros((rpt_buf, f2), jnp.float32)
    z16 = jnp.zeros((rpt_buf, 16), jnp.float32)
    zfp = jnp.zeros((rpt_buf, fp), jnp.float32)
    ones = jnp.ones((CH, 16), jnp.float32)
    wcp = jnp.concatenate([Wc, jnp.zeros((f, fp - ncls), jnp.float32)], axis=1)
    bcp = jnp.concatenate([bc, jnp.zeros((fp - ncls,), jnp.float32)]).reshape(1, fp)
    b1r = b1.reshape(1, f)
    b2r = b2.reshape(1, f)

    BLK = 2000
    grid = (n // BLK,)

    xh = jnp.stack([x[:, :f2], x[:, f2:]])
    aggx, deg = _make_sc_agg(n, n_edges, f2, True)(xh, src, dst, zf, ones, z16)

    p, s, rt = pl.pallas_call(
        _mid_body,
        grid=grid,
        in_specs=[
            pl.BlockSpec((BLK, f), lambda i: (i, 0)),
            pl.BlockSpec((2, BLK, f2), lambda i: (0, i, 0)),
            pl.BlockSpec((2, BLK, 16), lambda i: (0, i, 0)),
            pl.BlockSpec((f, f), lambda i: (0, 0)),
            pl.BlockSpec((1, f), lambda i: (0, 0)),
            pl.BlockSpec((f, f), lambda i: (0, 0)),
            pl.BlockSpec((f, f), lambda i: (0, 0)),
            pl.BlockSpec((f, f), lambda i: (0, 0)),
            pl.BlockSpec((f, fp), lambda i: (0, 0)),
            pl.BlockSpec((1, f), lambda i: (0, 0)),
            pl.BlockSpec((1, fp), lambda i: (0, 0)),
        ],
        out_specs=[pl.BlockSpec((BLK, fp), lambda i: (i, 0)),
                   pl.BlockSpec((BLK, fp), lambda i: (i, 0)),
                   pl.BlockSpec((BLK, 16), lambda i: (i, 0))],
        out_shape=[jax.ShapeDtypeStruct((n, fp), jnp.float32),
                   jax.ShapeDtypeStruct((n, fp), jnp.float32),
                   jax.ShapeDtypeStruct((n, 16), jnp.float32)],
    )(x, aggx, deg, W_self1, b1r, W_nei1, W_nei2, W_self2, wcp, b2r, bcp)

    (agg2,) = _make_sc_agg_es(n, n_edges, fp)(p, src_es, dst_es, zfp)

    out = pl.pallas_call(
        _fin_body,
        grid=grid,
        in_specs=[
            pl.BlockSpec((BLK, fp), lambda i: (i, 0)),
            pl.BlockSpec((2, BLK, fp), lambda i: (0, i, 0)),
            pl.BlockSpec((BLK, 16), lambda i: (i, 0)),
        ],
        out_specs=pl.BlockSpec((BLK, fp), lambda i: (i, 0)),
        out_shape=jax.ShapeDtypeStruct((n, fp), jnp.float32),
    )(s, agg2, rt)

    return out[:, :ncls]

# --- scband reference (transcript-rebuilt; emitter-appended) ---
"""Pipeline reference for scband-server-53180285059565 (READ-ONLY COPY).

The authoritative reference and input builder live on the scoring server;
editing this copy changes nothing except your own understanding.
"""

import jax, jax.numpy as jnp
import numpy as np

N_NODES = 10000
N_EDGES = 320000
H_FEATS = 128
NUM_CLASSES = 40


def setup_inputs(seed: int = 0) -> dict:
    key = jax.random.key(seed)
    ks = jax.random.split(key, 12)
    x = jax.random.normal(ks[0], (N_NODES, H_FEATS), dtype=jnp.float32)
    edge_index = jax.random.randint(ks[1], (2, N_EDGES), 0, N_NODES, dtype=jnp.int64)
    s = 1.0 / np.sqrt(H_FEATS)
    W_self1 = jax.random.uniform(ks[2], (H_FEATS, H_FEATS), jnp.float32, -s, s)
    W_nei1 = jax.random.uniform(ks[3], (H_FEATS, H_FEATS), jnp.float32, -s, s)
    b1 = jnp.zeros((H_FEATS,), jnp.float32)
    W_self2 = jax.random.uniform(ks[4], (H_FEATS, H_FEATS), jnp.float32, -s, s)
    W_nei2 = jax.random.uniform(ks[5], (H_FEATS, H_FEATS), jnp.float32, -s, s)
    b2 = jnp.zeros((H_FEATS,), jnp.float32)
    Wc = jax.random.uniform(ks[6], (H_FEATS, NUM_CLASSES), jnp.float32, -s, s)
    bc = jnp.zeros((NUM_CLASSES,), jnp.float32)
    return {"x": x, "edge_index": edge_index, "W_self1": W_self1, "W_nei1": W_nei1, "b1": b1, "W_self2": W_self2, "W_nei2": W_nei2, "b2": b2, "Wc": Wc, "bc": bc}


def reference(x, edge_index, W_self1, W_nei1, b1, W_self2, W_nei2, b2, Wc, bc):
    # Server.gnnLayer: 2-layer GraphSAGE (mean aggregator), then
    # dropout (identity in eval) and classification linear head.
    src = edge_index[0]
    dst = edge_index[1]
    n = x.shape[0]

    def sage_layer(h, Ws, Wn, b):
        msg = h[src]  # gather neighbor (source) features per edge
        agg = jax.ops.segment_sum(msg, dst, num_segments=n)  # scatter-add by dst
        deg = jax.ops.segment_sum(jnp.ones((src.shape[0],), h.dtype), dst, num_segments=n)
        agg = agg / jnp.maximum(deg, 1.0)[:, None]  # mean aggregation
        return h @ Ws + agg @ Wn + b

    h = jax.nn.relu(sage_layer(x, W_self1, W_nei1, b1))
    h = sage_layer(h, W_self2, W_nei2, b2)
    # self.dropout in eval mode is identity
    out = h @ Wc + bc  # Classification head (logits)
    return out

if __name__ == "__main__":
    import jax
    _d = setup_inputs()
    print(jax.jit(kernel)(*tuple(_d.values())))

</pallas_src>

<mosaic_0001>
#map = affine_map<(d0, d1) -> (0, 0)>
#map1 = affine_map<(d0, d1) -> (0, 0, 0, 0)>
#map2 = affine_map<(d0, d1) -> (0, 0, 0)>
module attributes {stable_mosaic.version = 14 : i64} {
  func.func @body(%arg0: i32, %arg1: i32, %arg2: memref<10000x64xf32, #tpu.memory_space<hbm>>, %arg3: memref<2x16x80x125xi32, #tpu.memory_space<hbm>>, %arg4: memref<2x16x80x125xi32, #tpu.memory_space<hbm>>, %arg5: memref<625x64xf32, #tpu.memory_space<hbm>>, %arg6: memref<2x10000x64xf32, #tpu.memory_space<hbm>>, %arg7: memref<80x125xi32, #tpu.memory_space<vmem>>, %arg8: memref<80x125xi32, #tpu.memory_space<vmem>>, %arg9: memref<125x64xf32, #tpu.memory_space<vmem>>, %arg10: memref<125x64xf32, #tpu.memory_space<vmem>>, %arg11: memref<125x64xf32, #tpu.memory_space<vmem>>, %arg12: memref<125x64xf32, #tpu.memory_space<vmem>>, %arg13: memref<10000x64xf32, #tpu.memory_space<vmem_shared>>, %arg14: memref<!tpu.dma_semaphore, #tpu.memory_space<semaphore_mem>>, %arg15: memref<!tpu.dma_semaphore, #tpu.memory_space<semaphore_mem>>, %arg16: memref<!tpu.dma_semaphore, #tpu.memory_space<semaphore_mem>>, %arg17: memref<!tpu.dma_semaphore, #tpu.memory_space<semaphore_mem>>, %arg18: memref<!tpu.dma_semaphore, #tpu.memory_space<semaphore_mem>>, %arg19: memref<!tpu.dma_semaphore, #tpu.memory_space<semaphore_mem>>, %arg20: memref<!tpu.dma_semaphore, #tpu.memory_space<semaphore_mem>>, %arg21: memref<!tpu.dma_semaphore, #tpu.memory_space<semaphore_mem>>) attributes {dimension_semantics = [#tpu.dimension_semantics<core_parallel>, #tpu.dimension_semantics<subcore_parallel>], iteration_bounds = array<i64: 2, 16>, scalar_prefetch = 0 : i64, scratch_operands = 15 : i64, tpu.core_type = #tpu.core_type<sc_vector_subcore>, window_params = [{transform_indices = #map}, {transform_indices = #map1}, {transform_indices = #map1}, {transform_indices = #map}, {transform_indices = #map2}]} {
    %dma_start3A = arith.constant 0 : i32
    %dma_start3A_0 = arith.constant 0 : i32
    %dma_start3A_1 = tpu.memref_slice %arg3[%arg0, %arg1, %dma_start3A, %dma_start3A_0] : memref<2x16x80x125xi32, #tpu.memory_space<hbm>> -> memref<1x1x80x125xi32, #tpu.memory_space<hbm>>
    %dma_start3A_2 = tpu.memref_squeeze %dma_start3A_1 : memref<1x1x80x125xi32, #tpu.memory_space<hbm>> -> memref<80x125xi32, #tpu.memory_space<hbm>>
    %dma_start3A_3 = arith.constant 0 : i32
    %dma_start3A_4 = arith.constant 0 : i32
    %dma_start3A_5 = tpu.memref_slice %arg3[%arg0, %arg1, %dma_start3A_3, %dma_start3A_4] : memref<2x16x80x125xi32, #tpu.memory_space<hbm>> -> memref<1x1x80x125xi32, #tpu.memory_space<hbm>>
    %dma_start3A_6 = tpu.memref_squeeze %dma_start3A_5 : memref<1x1x80x125xi32, #tpu.memory_space<hbm>> -> memref<80x125xi32, #tpu.memory_space<hbm>>
    tpu.enqueue_dma source(%dma_start3A_6 : memref<80x125xi32, #tpu.memory_space<hbm>>) target(%arg7 : memref<80x125xi32, #tpu.memory_space<vmem>>) target_semaphore(%arg14 : memref<!tpu.dma_semaphore, #tpu.memory_space<semaphore_mem>>)
    %dma_start3A_7 = arith.constant 0 : i32
    %dma_start3A_8 = arith.constant 0 : i32
    %dma_start3A_9 = tpu.memref_slice %arg4[%arg0, %arg1, %dma_start3A_7, %dma_start3A_8] : memref<2x16x80x125xi32, #tpu.memory_space<hbm>> -> memref<1x1x80x125xi32, #tpu.memory_space<hbm>>
    %dma_start3A_10 = tpu.memref_squeeze %dma_start3A_9 : memref<1x1x80x125xi32, #tpu.memory_space<hbm>> -> memref<80x125xi32, #tpu.memory_space<hbm>>
    %dma_start3A_11 = arith.constant 0 : i32
    %dma_start3A_12 = arith.constant 0 : i32
    %dma_start3A_13 = tpu.memref_slice %arg4[%arg0, %arg1, %dma_start3A_11, %dma_start3A_12] : memref<2x16x80x125xi32, #tpu.memory_space<hbm>> -> memref<1x1x80x125xi32, #tpu.memory_space<hbm>>
    %dma_start3A_14 = tpu.memref_squeeze %dma_start3A_13 : memref<1x1x80x125xi32, #tpu.memory_space<hbm>> -> memref<80x125xi32, #tpu.memory_space<hbm>>
    tpu.enqueue_dma source(%dma_start3A_14 : memref<80x125xi32, #tpu.memory_space<hbm>>) target(%arg8 : memref<80x125xi32, #tpu.memory_space<vmem>>) target_semaphore(%arg15 : memref<!tpu.dma_semaphore, #tpu.memory_space<semaphore_mem>>)
    %mul3A = arith.constant 624 : i32
    %mul3A_15 = arith.muli %arg1, %mul3A : i32
    %dma_start3A_16 = arith.constant 0 : i32
    %dma_start3A_17 = tpu.memref_slice %arg13[%mul3A_15, %dma_start3A_16] : memref<10000x64xf32, #tpu.memory_space<vmem_shared>> -> memref<624x64xf32, #tpu.memory_space<vmem_shared>>
    %dma_start3A_18 = arith.constant 0 : i32
    %dma_start3A_19 = arith.constant 0 : i32
    %dma_start3A_20 = tpu.memref_slice %arg5[%dma_start3A_18, %dma_start3A_19] : memref<625x64xf32, #tpu.memory_space<hbm>> -> memref<624x64xf32, #tpu.memory_space<hbm>>
    tpu.enqueue_dma source(%dma_start3A_20 : memref<624x64xf32, #tpu.memory_space<hbm>>) target(%dma_start3A_17 : memref<624x64xf32, #tpu.memory_space<vmem_shared>>) target_semaphore(%arg16 : memref<!tpu.dma_semaphore, #tpu.memory_space<semaphore_mem>>)
    %dma_wait3A = arith.constant 0 : i32
    %dma_wait3A_21 = arith.constant 0 : i32
    %dma_wait3A_22 = tpu.memref_slice %arg3[%arg0, %arg1, %dma_wait3A, %dma_wait3A_21] : memref<2x16x80x125xi32, #tpu.memory_space<hbm>> -> memref<1x1x80x125xi32, #tpu.memory_space<hbm>>
    %dma_wait3A_23 = tpu.memref_squeeze %dma_wait3A_22 : memref<1x1x80x125xi32, #tpu.memory_space<hbm>> -> memref<80x125xi32, #tpu.memory_space<hbm>>
    %dma_wait3A_24 = arith.constant 0 : i32
    %dma_wait3A_25 = arith.constant 0 : i32
    %dma_wait3A_26 = tpu.memref_slice %arg3[%arg0, %arg1, %dma_wait3A_24, %dma_wait3A_25] : memref<2x16x80x125xi32, #tpu.memory_space<hbm>> -> memref<1x1x80x125xi32, #tpu.memory_space<hbm>>
    %dma_wait3A_27 = tpu.memref_squeeze %dma_wait3A_26 : memref<1x1x80x125xi32, #tpu.memory_space<hbm>> -> memref<80x125xi32, #tpu.memory_space<hbm>>
    tpu.wait_dma2 semaphore(%arg14 : memref<!tpu.dma_semaphore, #tpu.memory_space<semaphore_mem>>) src(%dma_wait3A_27 : memref<80x125xi32, #tpu.memory_space<hbm>>) dst(%arg7 : memref<80x125xi32, #tpu.memory_space<vmem>>)
    %dma_wait3A_28 = arith.constant 0 : i32
    %dma_wait3A_29 = arith.constant 0 : i32
    %dma_wait3A_30 = tpu.memref_slice %arg4[%arg0, %arg1, %dma_wait3A_28, %dma_wait3A_29] : memref<2x16x80x125xi32, #tpu.memory_space<hbm>> -> memref<1x1x80x125xi32, #tpu.memory_space<hbm>>
    %dma_wait3A_31 = tpu.memref_squeeze %dma_wait3A_30 : memref<1x1x80x125xi32, #tpu.memory_space<hbm>> -> memref<80x125xi32, #tpu.memory_space<hbm>>
    %dma_wait3A_32 = arith.constant 0 : i32
    %dma_wait3A_33 = arith.constant 0 : i32
    %dma_wait3A_34 = tpu.memref_slice %arg4[%arg0, %arg1, %dma_wait3A_32, %dma_wait3A_33] : memref<2x16x80x125xi32, #tpu.memory_space<hbm>> -> memref<1x1x80x125xi32, #tpu.memory_space<hbm>>
    %dma_wait3A_35 = tpu.memref_squeeze %dma_wait3A_34 : memref<1x1x80x125xi32, #tpu.memory_space<hbm>> -> memref<80x125xi32, #tpu.memory_space<hbm>>
    tpu.wait_dma2 semaphore(%arg15 : memref<!tpu.dma_semaphore, #tpu.memory_space<semaphore_mem>>) src(%dma_wait3A_35 : memref<80x125xi32, #tpu.memory_space<hbm>>) dst(%arg8 : memref<80x125xi32, #tpu.memory_space<vmem>>)
    %dma_wait3A_36 = arith.constant 0 : i32
    %dma_wait3A_37 = tpu.memref_slice %arg13[%mul3A_15, %dma_wait3A_36] : memref<10000x64xf32, #tpu.memory_space<vmem_shared>> -> memref<624x64xf32, #tpu.memory_space<vmem_shared>>
    %dma_wait3A_38 = arith.constant 0 : i32
    %dma_wait3A_39 = arith.constant 0 : i32
    %dma_wait3A_40 = tpu.memref_slice %arg5[%dma_wait3A_38, %dma_wait3A_39] : memref<625x64xf32, #tpu.memory_space<hbm>> -> memref<624x64xf32, #tpu.memory_space<hbm>>
    tpu.wait_dma2 semaphore(%arg16 : memref<!tpu.dma_semaphore, #tpu.memory_space<semaphore_mem>>) src(%dma_wait3A_40 : memref<624x64xf32, #tpu.memory_space<hbm>>) dst(%dma_wait3A_37 : memref<624x64xf32, #tpu.memory_space<vmem_shared>>)
    %eq3A = arith.constant 15 : i32
    %eq3A_41 = arith.cmpi eq, %arg1, %eq3A : i32
    %convert_element_type3A = arith.extui %eq3A_41 : i1 to i32
    %cond3A = arith.constant 0 : i32
    %cond3A_42 = arith.cmpi ne, %convert_element_type3A, %cond3A : i32
    scf.if %cond3A_42 {
      "tpu.region"() ({
        %run_scoped3A = tpu.sem_alloc : memref<!tpu.dma_semaphore, #tpu.memory_space<semaphore_mem>>
        %dma_start3A_98 = arith.constant 9984 : i32
        %dma_start3A_99 = arith.constant 0 : i32
        %dma_start3A_100 = tpu.memref_slice %arg13[%dma_start3A_98, %dma_start3A_99] : memref<10000x64xf32, #tpu.memory_space<vmem_shared>> -> memref<16x64xf32, #tpu.memory_space<vmem_shared>>
        %dma_start3A_101 = arith.constant 0 : i32
        %dma_start3A_102 = arith.constant 0 : i32
        %dma_start3A_103 = tpu.memref_slice %arg5[%dma_start3A_101, %dma_start3A_102] : memref<625x64xf32, #tpu.memory_space<hbm>> -> memref<16x64xf32, #tpu.memory_space<hbm>>
        tpu.enqueue_dma source(%dma_start3A_103 : memref<16x64xf32, #tpu.memory_space<hbm>>) target(%dma_start3A_100 : memref<16x64xf32, #tpu.memory_space<vmem_shared>>) target_semaphore(%run_scoped3A : memref<!tpu.dma_semaphore, #tpu.memory_space<semaphore_mem>>)
        %dma_wait3A_104 = arith.constant 9984 : i32
        %dma_wait3A_105 = arith.constant 0 : i32
        %dma_wait3A_106 = tpu.memref_slice %arg13[%dma_wait3A_104, %dma_wait3A_105] : memref<10000x64xf32, #tpu.memory_space<vmem_shared>> -> memref<16x64xf32, #tpu.memory_space<vmem_shared>>
        %dma_wait3A_107 = arith.constant 0 : i32
        %dma_wait3A_108 = arith.constant 0 : i32
        %dma_wait3A_109 = tpu.memref_slice %arg5[%dma_wait3A_107, %dma_wait3A_108] : memref<625x64xf32, #tpu.memory_space<hbm>> -> memref<16x64xf32, #tpu.memory_space<hbm>>
        tpu.wait_dma2 semaphore(%run_scoped3A : memref<!tpu.dma_semaphore, #tpu.memory_space<semaphore_mem>>) src(%dma_wait3A_109 : memref<16x64xf32, #tpu.memory_space<hbm>>) dst(%dma_wait3A_106 : memref<16x64xf32, #tpu.memory_space<vmem_shared>>)
        tpu.yield
      }) : () -> ()
    } else {
    }
    %barrier3A = arith.constant 0 : index
    tpu.barrier barrier_id(%barrier3A)
    %dma_start3A_43 = arith.constant 0 : i32
    %dma_start3A_44 = arith.constant 0 : i32
    %dma_start3A_45 = tpu.memref_slice %arg7[%dma_start3A_43, %dma_start3A_44] : memref<80x125xi32, #tpu.memory_space<vmem>> -> memref<1x125xi32, #tpu.memory_space<vmem>>
    %dma_start3A_46 = tpu.memref_squeeze %dma_start3A_45 : memref<1x125xi32, #tpu.memory_space<vmem>> -> memref<125xi32, #tpu.memory_space<vmem>>
    %dma_start3A_47 = arith.constant 0 : i32
    %dma_start3A_48 = arith.constant 0 : i32
    %dma_start3A_49 = tpu.memref_slice %arg2[%dma_start3A_47, %dma_start3A_48] : memref<10000x64xf32, #tpu.memory_space<hbm>> -> memref<10000x64xf32, #tpu.memory_space<hbm>>
    tpu.enqueue_indirect_dma source(%dma_start3A_49 : memref<10000x64xf32, #tpu.memory_space<hbm>>) target(%arg9 : memref<125x64xf32, #tpu.memory_space<vmem>>) offsets(%dma_start3A_46 : memref<125xi32, #tpu.memory_space<vmem>>) semaphore(%arg14 : memref<!tpu.dma_semaphore, #tpu.memory_space<semaphore_mem>>)
    %dma_start3A_50 = arith.constant 1 : i32
    %dma_start3A_51 = arith.constant 0 : i32
    %dma_start3A_52 = tpu.memref_slice %arg7[%dma_start3A_50, %dma_start3A_51] : memref<80x125xi32, #tpu.memory_space<vmem>> -> memref<1x125xi32, #tpu.memory_space<vmem>>
    %dma_start3A_53 = tpu.memref_squeeze %dma_start3A_52 : memref<1x125xi32, #tpu.memory_space<vmem>> -> memref<125xi32, #tpu.memory_space<vmem>>
    %dma_start3A_54 = arith.constant 0 : i32
    %dma_start3A_55 = arith.constant 0 : i32
    %dma_start3A_56 = tpu.memref_slice %arg2[%dma_start3A_54, %dma_start3A_55] : memref<10000x64xf32, #tpu.memory_space<hbm>> -> memref<10000x64xf32, #tpu.memory_space<hbm>>
    tpu.enqueue_indirect_dma source(%dma_start3A_56 : memref<10000x64xf32, #tpu.memory_space<hbm>>) target(%arg10 : memref<125x64xf32, #tpu.memory_space<vmem>>) offsets(%dma_start3A_53 : memref<125xi32, #tpu.memory_space<vmem>>) semaphore(%arg15 : memref<!tpu.dma_semaphore, #tpu.memory_space<semaphore_mem>>)
    %scan3A = arith.constant 0 : i32
    %scan3A_57 = arith.constant 0 : i32
    %scan3A_58 = arith.constant 20 : i32
    %scan3A_59 = arith.addi %scan3A_57, %scan3A_58 : i32
    %scan3A_60 = arith.constant 1 : i32
    scf.for %scan3A_98 = %scan3A_57 to %scan3A_59 step %scan3A_60  : i32 {
      %mul3A_99 = arith.constant 4 : i32
      %mul3A_100 = arith.muli %mul3A_99, %scan3A_98 : i32
      %add3A = arith.constant 0 : i32
      %add3A_101 = arith.addi %mul3A_100, %add3A : i32
      %dma_wait3A_102 = arith.constant 0 : i32
      %dma_wait3A_103 = tpu.memref_slice %arg7[%add3A_101, %dma_wait3A_102] : memref<80x125xi32, #tpu.memory_space<vmem>> -> memref<1x125xi32, #tpu.memory_space<vmem>>
      %dma_wait3A_104 = tpu.memref_squeeze %dma_wait3A_103 : memref<1x125xi32, #tpu.memory_space<vmem>> -> memref<125xi32, #tpu.memory_space<vmem>>
      %dma_wait3A_105 = arith.constant 0 : i32
      %dma_wait3A_106 = arith.constant 0 : i32
      %dma_wait3A_107 = tpu.memref_slice %arg2[%dma_wait3A_105, %dma_wait3A_106] : memref<10000x64xf32, #tpu.memory_space<hbm>> -> memref<10000x64xf32, #tpu.memory_space<hbm>>
      tpu.wait_indirect_dma semaphore(%arg14 : memref<!tpu.dma_semaphore, #tpu.memory_space<semaphore_mem>>) src(%dma_wait3A_107 : memref<10000x64xf32, #tpu.memory_space<hbm>>) dst(%arg9 : memref<125x64xf32, #tpu.memory_space<vmem>>)
      %dma_start3A_108 = arith.constant 0 : i32
      %dma_start3A_109 = tpu.memref_slice %arg8[%add3A_101, %dma_start3A_108] : memref<80x125xi32, #tpu.memory_space<vmem>> -> memref<1x125xi32, #tpu.memory_space<vmem>>
      %dma_start3A_110 = tpu.memref_squeeze %dma_start3A_109 : memref<1x125xi32, #tpu.memory_space<vmem>> -> memref<125xi32, #tpu.memory_space<vmem>>
      %dma_start3A_111 = arith.constant 0 : i32
      %dma_start3A_112 = arith.constant 0 : i32
      %dma_start3A_113 = tpu.memref_slice %arg13[%dma_start3A_111, %dma_start3A_112] : memref<10000x64xf32, #tpu.memory_space<vmem_shared>> -> memref<10000x64xf32, #tpu.memory_space<vmem_shared>>
      tpu.enqueue_indirect_dma source(%arg9 : memref<125x64xf32, #tpu.memory_space<vmem>>) target(%dma_start3A_113 : memref<10000x64xf32, #tpu.memory_space<vmem_shared>>) offsets(%dma_start3A_110 : memref<125xi32, #tpu.memory_space<vmem>>) semaphore(%arg18 : memref<!tpu.dma_semaphore, #tpu.memory_space<semaphore_mem>>) {add = true}
      %add3A_114 = arith.constant 2 : i32
      %add3A_115 = arith.addi %add3A_101, %add3A_114 : i32
      %lt3A = arith.constant 80 : i32
      %lt3A_116 = arith.cmpi slt, %add3A_115, %lt3A : i32
      %convert_element_type3A_117 = arith.extui %lt3A_116 : i1 to i32
      %cond3A_118 = arith.constant 0 : i32
      %cond3A_119 = arith.cmpi ne, %convert_element_type3A_117, %cond3A_118 : i32
      scf.if %cond3A_119 {
        %ge3A = arith.constant 2 : i32
        %ge3A_189 = arith.cmpi sge, %add3A_101, %ge3A : i32
        %convert_element_type3A_190 = arith.extui %ge3A_189 : i1 to i32
        %cond3A_191 = arith.constant 0 : i32
        %cond3A_192 = arith.cmpi ne, %convert_element_type3A_190, %cond3A_191 : i32
        scf.if %cond3A_192 {
          %sub3A = arith.constant 2 : i32
          %sub3A_201 = arith.subi %add3A_101, %sub3A : i32
          %dma_wait3A_202 = arith.constant 0 : i32
          %dma_wait3A_203 = tpu.memref_slice %arg8[%sub3A_201, %dma_wait3A_202] : memref<80x125xi32, #tpu.memory_space<vmem>> -> memref<1x125xi32, #tpu.memory_space<vmem>>
          %dma_wait3A_204 = tpu.memref_squeeze %dma_wait3A_203 : memref<1x125xi32, #tpu.memory_space<vmem>> -> memref<125xi32, #tpu.memory_space<vmem>>
          %dma_wait3A_205 = arith.constant 0 : i32
          %dma_wait3A_206 = arith.constant 0 : i32
          %dma_wait3A_207 = tpu.memref_slice %arg13[%dma_wait3A_205, %dma_wait3A_206] : memref<10000x64xf32, #tpu.memory_space<vmem_shared>> -> memref<10000x64xf32, #tpu.memory_space<vmem_shared>>
          tpu.wait_indirect_dma semaphore(%arg20 : memref<!tpu.dma_semaphore, #tpu.memory_space<semaphore_mem>>) src(%arg11 : memref<125x64xf32, #tpu.memory_space<vmem>>) dst(%dma_wait3A_207 : memref<10000x64xf32, #tpu.memory_space<vmem_shared>>)
        } else {
        }
        %add3A_193 = arith.constant 2 : i32
        %add3A_194 = arith.addi %add3A_101, %add3A_193 : i32
        %dma_start3A_195 = arith.constant 0 : i32
        %dma_start3A_196 = tpu.memref_slice %arg7[%add3A_194, %dma_start3A_195] : memref<80x125xi32, #tpu.memory_space<vmem>> -> memref<1x125xi32, #tpu.memory_space<vmem>>
        %dma_start3A_197 = tpu.memref_squeeze %dma_start3A_196 : memref<1x125xi32, #tpu.memory_space<vmem>> -> memref<125xi32, #tpu.memory_space<vmem>>
        %dma_start3A_198 = arith.constant 0 : i32
        %dma_start3A_199 = arith.constant 0 : i32
        %dma_start3A_200 = tpu.memref_slice %arg2[%dma_start3A_198, %dma_start3A_199] : memref<10000x64xf32, #tpu.memory_space<hbm>> -> memref<10000x64xf32, #tpu.memory_space<hbm>>
        tpu.enqueue_indirect_dma source(%dma_start3A_200 : memref<10000x64xf32, #tpu.memory_space<hbm>>) target(%arg11 : memref<125x64xf32, #tpu.memory_space<vmem>>) offsets(%dma_start3A_197 : memref<125xi32, #tpu.memory_space<vmem>>) semaphore(%arg16 : memref<!tpu.dma_semaphore, #tpu.memory_space<semaphore_mem>>)
      } else {
      }
      %mul3A_120 = arith.constant 4 : i32
      %mul3A_121 = arith.muli %mul3A_120, %scan3A_98 : i32
      %add3A_122 = arith.constant 1 : i32
      %add3A_123 = arith.addi %mul3A_121, %add3A_122 : i32
      %dma_wait3A_124 = arith.constant 0 : i32
      %dma_wait3A_125 = tpu.memref_slice %arg7[%add3A_123, %dma_wait3A_124] : memref<80x125xi32, #tpu.memory_space<vmem>> -> memref<1x125xi32, #tpu.memory_space<vmem>>
      %dma_wait3A_126 = tpu.memref_squeeze %dma_wait3A_125 : memref<1x125xi32, #tpu.memory_space<vmem>> -> memref<125xi32, #tpu.memory_space<vmem>>
      %dma_wait3A_127 = arith.constant 0 : i32
      %dma_wait3A_128 = arith.constant 0 : i32
      %dma_wait3A_129 = tpu.memref_slice %arg2[%dma_wait3A_127, %dma_wait3A_128] : memref<10000x64xf32, #tpu.memory_space<hbm>> -> memref<10000x64xf32, #tpu.memory_space<hbm>>
      tpu.wait_indirect_dma semaphore(%arg15 : memref<!tpu.dma_semaphore, #tpu.memory_space<semaphore_mem>>) src(%dma_wait3A_129 : memref<10000x64xf32, #tpu.memory_space<hbm>>) dst(%arg10 : memref<125x64xf32, #tpu.memory_space<vmem>>)
      %dma_start3A_130 = arith.constant 0 : i32
      %dma_start3A_131 = tpu.memref_slice %arg8[%add3A_123, %dma_start3A_130] : memref<80x125xi32, #tpu.memory_space<vmem>> -> memref<1x125xi32, #tpu.memory_space<vmem>>
      %dma_start3A_132 = tpu.memref_squeeze %dma_start3A_131 : memref<1x125xi32, #tpu.memory_space<vmem>> -> memref<125xi32, #tpu.memory_space<vmem>>
      %dma_start3A_133 = arith.constant 0 : i32
      %dma_start3A_134 = arith.constant 0 : i32
      %dma_start3A_135 = tpu.memref_slice %arg13[%dma_start3A_133, %dma_start3A_134] : memref<10000x64xf32, #tpu.memory_space<vmem_shared>> -> memref<10000x64xf32, #tpu.memory_space<vmem_shared>>
      tpu.enqueue_indirect_dma source(%arg10 : memref<125x64xf32, #tpu.memory_space<vmem>>) target(%dma_start3A_135 : memref<10000x64xf32, #tpu.memory_space<vmem_shared>>) offsets(%dma_start3A_132 : memref<125xi32, #tpu.memory_space<vmem>>) semaphore(%arg19 : memref<!tpu.dma_semaphore, #tpu.memory_space<semaphore_mem>>) {add = true}
      %add3A_136 = arith.constant 2 : i32
      %add3A_137 = arith.addi %add3A_123, %add3A_136 : i32
      %lt3A_138 = arith.constant 80 : i32
      %lt3A_139 = arith.cmpi slt, %add3A_137, %lt3A_138 : i32
      %convert_element_type3A_140 = arith.extui %lt3A_139 : i1 to i32
      %cond3A_141 = arith.constant 0 : i32
      %cond3A_142 = arith.cmpi ne, %convert_element_type3A_140, %cond3A_141 : i32
      scf.if %cond3A_142 {
        %ge3A = arith.constant 2 : i32
        %ge3A_189 = arith.cmpi sge, %add3A_123, %ge3A : i32
        %convert_element_type3A_190 = arith.extui %ge3A_189 : i1 to i32
        %cond3A_191 = arith.constant 0 : i32
        %cond3A_192 = arith.cmpi ne, %convert_element_type3A_190, %cond3A_191 : i32
        scf.if %cond3A_192 {
          %sub3A = arith.constant 2 : i32
          %sub3A_201 = arith.subi %add3A_123, %sub3A : i32
          %dma_wait3A_202 = arith.constant 0 : i32
          %dma_wait3A_203 = tpu.memref_slice %arg8[%sub3A_201, %dma_wait3A_202] : memref<80x125xi32, #tpu.memory_space<vmem>> -> memref<1x125xi32, #tpu.memory_space<vmem>>
          %dma_wait3A_204 = tpu.memref_squeeze %dma_wait3A_203 : memref<1x125xi32, #tpu.memory_space<vmem>> -> memref<125xi32, #tpu.memory_space<vmem>>
          %dma_wait3A_205 = arith.constant 0 : i32
          %dma_wait3A_206 = arith.constant 0 : i32
          %dma_wait3A_207 = tpu.memref_slice %arg13[%dma_wait3A_205, %dma_wait3A_206] : memref<10000x64xf32, #tpu.memory_space<vmem_shared>> -> memref<10000x64xf32, #tpu.memory_space<vmem_shared>>
          tpu.wait_indirect_dma semaphore(%arg21 : memref<!tpu.dma_semaphore, #tpu.memory_space<semaphore_mem>>) src(%arg12 : memref<125x64xf32, #tpu.memory_space<vmem>>) dst(%dma_wait3A_207 : memref<10000x64xf32, #tpu.memory_space<vmem_shared>>)
        } else {
        }
        %add3A_193 = arith.constant 2 : i32
        %add3A_194 = arith.addi %add3A_123, %add3A_193 : i32
        %dma_start3A_195 = arith.constant 0 : i32
        %dma_start3A_196 = tpu.memref_slice %arg7[%add3A_194, %dma_start3A_195] : memref<80x125xi32, #tpu.memory_space<vmem>> -> memref<1x125xi32, #tpu.memory_space<vmem>>
        %dma_start3A_197 = tpu.memref_squeeze %dma_start3A_196 : memref<1x125xi32, #tpu.memory_space<vmem>> -> memref<125xi32, #tpu.memory_space<vmem>>
        %dma_start3A_198 = arith.constant 0 : i32
        %dma_start3A_199 = arith.constant 0 : i32
        %dma_start3A_200 = tpu.memref_slice %arg2[%dma_start3A_198, %dma_start3A_199] : memref<10000x64xf32, #tpu.memory_space<hbm>> -> memref<10000x64xf32, #tpu.memory_space<hbm>>
        tpu.enqueue_indirect_dma source(%dma_start3A_200 : memref<10000x64xf32, #tpu.memory_space<hbm>>) target(%arg12 : memref<125x64xf32, #tpu.memory_space<vmem>>) offsets(%dma_start3A_197 : memref<125xi32, #tpu.memory_space<vmem>>) semaphore(%arg17 : memref<!tpu.dma_semaphore, #tpu.memory_space<semaphore_mem>>)
      } else {
      }
      %mul3A_143 = arith.constant 4 : i32
      %mul3A_144 = arith.muli %mul3A_143, %scan3A_98 : i32
      %add3A_145 = arith.constant 2 : i32
      %add3A_146 = arith.addi %mul3A_144, %add3A_145 : i32
      %dma_wait3A_147 = arith.constant 0 : i32
      %dma_wait3A_148 = tpu.memref_slice %arg7[%add3A_146, %dma_wait3A_147] : memref<80x125xi32, #tpu.memory_space<vmem>> -> memref<1x125xi32, #tpu.memory_space<vmem>>
      %dma_wait3A_149 = tpu.memref_squeeze %dma_wait3A_148 : memref<1x125xi32, #tpu.memory_space<vmem>> -> memref<125xi32, #tpu.memory_space<vmem>>
      %dma_wait3A_150 = arith.constant 0 : i32
      %dma_wait3A_151 = arith.constant 0 : i32
      %dma_wait3A_152 = tpu.memref_slice %arg2[%dma_wait3A_150, %dma_wait3A_151] : memref<10000x64xf32, #tpu.memory_space<hbm>> -> memref<10000x64xf32, #tpu.memory_space<hbm>>
      tpu.wait_indirect_dma semaphore(%arg16 : memref<!tpu.dma_semaphore, #tpu.memory_space<semaphore_mem>>) src(%dma_wait3A_152 : memref<10000x64xf32, #tpu.memory_space<hbm>>) dst(%arg11 : memref<125x64xf32, #tpu.memory_space<vmem>>)
      %dma_start3A_153 = arith.constant 0 : i32
      %dma_start3A_154 = tpu.memref_slice %arg8[%add3A_146, %dma_start3A_153] : memref<80x125xi32, #tpu.memory_space<vmem>> -> memref<1x125xi32, #tpu.memory_space<vmem>>
      %dma_start3A_155 = tpu.memref_squeeze %dma_start3A_154 : memref<1x125xi32, #tpu.memory_space<vmem>> -> memref<125xi32, #tpu.memory_space<vmem>>
      %dma_start3A_156 = arith.constant 0 : i32
      %dma_start3A_157 = arith.constant 0 : i32
      %dma_start3A_158 = tpu.memref_slice %arg13[%dma_start3A_156, %dma_start3A_157] : memref<10000x64xf32, #tpu.memory_space<vmem_shared>> -> memref<10000x64xf32, #tpu.memory_space<vmem_shared>>
      tpu.enqueue_indirect_dma source(%arg11 : memref<125x64xf32, #tpu.memory_space<vmem>>) target(%dma_start3A_158 : memref<10000x64xf32, #tpu.memory_space<vmem_shared>>) offsets(%dma_start3A_155 : memref<125xi32, #tpu.memory_space<vmem>>) semaphore(%arg20 : memref<!tpu.dma_semaphore, #tpu.memory_space<semaphore_mem>>) {add = true}
      %add3A_159 = arith.constant 2 : i32
      %add3A_160 = arith.addi %add3A_146, %add3A_159 : i32
      %lt3A_161 = arith.constant 80 : i32
      %lt3A_162 = arith.cmpi slt, %add3A_160, %lt3A_161 : i32
      %convert_element_type3A_163 = arith.extui %lt3A_162 : i1 to i32
      %cond3A_164 = arith.constant 0 : i32
      %cond3A_165 = arith.cmpi ne, %convert_element_type3A_163, %cond3A_164 : i32
      scf.if %cond3A_165 {
        %ge3A = arith.constant 2 : i32
        %ge3A_189 = arith.cmpi sge, %add3A_146, %ge3A : i32
        %convert_element_type3A_190 = arith.extui %ge3A_189 : i1 to i32
        %cond3A_191 = arith.constant 0 : i32
        %cond3A_192 = arith.cmpi ne, %convert_element_type3A_190, %cond3A_191 : i32
        scf.if %cond3A_192 {
          %sub3A = arith.constant 2 : i32
          %sub3A_201 = arith.subi %add3A_146, %sub3A : i32
          %dma_wait3A_202 = arith.constant 0 : i32
          %dma_wait3A_203 = tpu.memref_slice %arg8[%sub3A_201, %dma_wait3A_202] : memref<80x125xi32, #tpu.memory_space<vmem>> -> memref<1x125xi32, #tpu.memory_space<vmem>>
          %dma_wait3A_204 = tpu.memref_squeeze %dma_wait3A_203 : memref<1x125xi32, #tpu.memory_space<vmem>> -> memref<125xi32, #tpu.memory_space<vmem>>
          %dma_wait3A_205 = arith.constant 0 : i32
          %dma_wait3A_206 = arith.constant 0 : i32
          %dma_wait3A_207 = tpu.memref_slice %arg13[%dma_wait3A_205, %dma_wait3A_206] : memref<10000x64xf32, #tpu.memory_space<vmem_shared>> -> memref<10000x64xf32, #tpu.memory_space<vmem_shared>>
          tpu.wait_indirect_dma semaphore(%arg18 : memref<!tpu.dma_semaphore, #tpu.memory_space<semaphore_mem>>) src(%arg9 : memref<125x64xf32, #tpu.memory_space<vmem>>) dst(%dma_wait3A_207 : memref<10000x64xf32, #tpu.memory_space<vmem_shared>>)
        } else {
        }
        %add3A_193 = arith.constant 2 : i32
        %add3A_194 = arith.addi %add3A_146, %add3A_193 : i32
        %dma_start3A_195 = arith.constant 0 : i32
        %dma_start3A_196 = tpu.memref_slice %arg7[%add3A_194, %dma_start3A_195] : memref<80x125xi32, #tpu.memory_space<vmem>> -> memref<1x125xi32, #tpu.memory_space<vmem>>
        %dma_start3A_197 = tpu.memref_squeeze %dma_start3A_196 : memref<1x125xi32, #tpu.memory_space<vmem>> -> memref<125xi32, #tpu.memory_space<vmem>>
        %dma_start3A_198 = arith.constant 0 : i32
        %dma_start3A_199 = arith.constant 0 : i32
        %dma_start3A_200 = tpu.memref_slice %arg2[%dma_start3A_198, %dma_start3A_199] : memref<10000x64xf32, #tpu.memory_space<hbm>> -> memref<10000x64xf32, #tpu.memory_space<hbm>>
        tpu.enqueue_indirect_dma source(%dma_start3A_200 : memref<10000x64xf32, #tpu.memory_space<hbm>>) target(%arg9 : memref<125x64xf32, #tpu.memory_space<vmem>>) offsets(%dma_start3A_197 : memref<125xi32, #tpu.memory_space<vmem>>) semaphore(%arg14 : memref<!tpu.dma_semaphore, #tpu.memory_space<semaphore_mem>>)
      } else {
      }
      %mul3A_166 = arith.constant 4 : i32
      %mul3A_167 = arith.muli %mul3A_166, %scan3A_98 : i32
      %add3A_168 = arith.constant 3 : i32
      %add3A_169 = arith.addi %mul3A_167, %add3A_168 : i32
      %dma_wait3A_170 = arith.constant 0 : i32
      %dma_wait3A_171 = tpu.memref_slice %arg7[%add3A_169, %dma_wait3A_170] : memref<80x125xi32, #tpu.memory_space<vmem>> -> memref<1x125xi32, #tpu.memory_space<vmem>>
      %dma_wait3A_172 = tpu.memref_squeeze %dma_wait3A_171 : memref<1x125xi32, #tpu.memory_space<vmem>> -> memref<125xi32, #tpu.memory_space<vmem>>
      %dma_wait3A_173 = arith.constant 0 : i32
      %dma_wait3A_174 = arith.constant 0 : i32
      %dma_wait3A_175 = tpu.memref_slice %arg2[%dma_wait3A_173, %dma_wait3A_174] : memref<10000x64xf32, #tpu.memory_space<hbm>> -> memref<10000x64xf32, #tpu.memory_space<hbm>>
      tpu.wait_indirect_dma semaphore(%arg17 : memref<!tpu.dma_semaphore, #tpu.memory_space<semaphore_mem>>) src(%dma_wait3A_175 : memref<10000x64xf32, #tpu.memory_space<hbm>>) dst(%arg12 : memref<125x64xf32, #tpu.memory_space<vmem>>)
      %dma_start3A_176 = arith.constant 0 : i32
      %dma_start3A_177 = tpu.memref_slice %arg8[%add3A_169, %dma_start3A_176] : memref<80x125xi32, #tpu.memory_space<vmem>> -> memref<1x125xi32, #tpu.memory_space<vmem>>
      %dma_start3A_178 = tpu.memref_squeeze %dma_start3A_177 : memref<1x125xi32, #tpu.memory_space<vmem>> -> memref<125xi32, #tpu.memory_space<vmem>>
      %dma_start3A_179 = arith.constant 0 : i32
      %dma_start3A_180 = arith.constant 0 : i32
      %dma_start3A_181 = tpu.memref_slice %arg13[%dma_start3A_179, %dma_start3A_180] : memref<10000x64xf32, #tpu.memory_space<vmem_shared>> -> memref<10000x64xf32, #tpu.memory_space<vmem_shared>>
      tpu.enqueue_indirect_dma source(%arg12 : memref<125x64xf32, #tpu.memory_space<vmem>>) target(%dma_start3A_181 : memref<10000x64xf32, #tpu.memory_space<vmem_shared>>) offsets(%dma_start3A_178 : memref<125xi32, #tpu.memory_space<vmem>>) semaphore(%arg21 : memref<!tpu.dma_semaphore, #tpu.memory_space<semaphore_mem>>) {add = true}
      %add3A_182 = arith.constant 2 : i32
      %add3A_183 = arith.addi %add3A_169, %add3A_182 : i32
      %lt3A_184 = arith.constant 80 : i32
      %lt3A_185 = arith.cmpi slt, %add3A_183, %lt3A_184 : i32
      %convert_element_type3A_186 = arith.extui %lt3A_185 : i1 to i32
      %cond3A_187 = arith.constant 0 : i32
      %cond3A_188 = arith.cmpi ne, %convert_element_type3A_186, %cond3A_187 : i32
      scf.if %cond3A_188 {
        %ge3A = arith.constant 2 : i32
        %ge3A_189 = arith.cmpi sge, %add3A_169, %ge3A : i32
        %convert_element_type3A_190 = arith.extui %ge3A_189 : i1 to i32
        %cond3A_191 = arith.constant 0 : i32
        %cond3A_192 = arith.cmpi ne, %convert_element_type3A_190, %cond3A_191 : i32
        scf.if %cond3A_192 {
          %sub3A = arith.constant 2 : i32
          %sub3A_201 = arith.subi %add3A_169, %sub3A : i32
          %dma_wait3A_202 = arith.constant 0 : i32
          %dma_wait3A_203 = tpu.memref_slice %arg8[%sub3A_201, %dma_wait3A_202] : memref<80x125xi32, #tpu.memory_space<vmem>> -> memref<1x125xi32, #tpu.memory_space<vmem>>
          %dma_wait3A_204 = tpu.memref_squeeze %dma_wait3A_203 : memref<1x125xi32, #tpu.memory_space<vmem>> -> memref<125xi32, #tpu.memory_space<vmem>>
          %dma_wait3A_205 = arith.constant 0 : i32
          %dma_wait3A_206 = arith.constant 0 : i32
          %dma_wait3A_207 = tpu.memref_slice %arg13[%dma_wait3A_205, %dma_wait3A_206] : memref<10000x64xf32, #tpu.memory_space<vmem_shared>> -> memref<10000x64xf32, #tpu.memory_space<vmem_shared>>
          tpu.wait_indirect_dma semaphore(%arg19 : memref<!tpu.dma_semaphore, #tpu.memory_space<semaphore_mem>>) src(%arg10 : memref<125x64xf32, #tpu.memory_space<vmem>>) dst(%dma_wait3A_207 : memref<10000x64xf32, #tpu.memory_space<vmem_shared>>)
        } else {
        }
        %add3A_193 = arith.constant 2 : i32
        %add3A_194 = arith.addi %add3A_169, %add3A_193 : i32
        %dma_start3A_195 = arith.constant 0 : i32
        %dma_start3A_196 = tpu.memref_slice %arg7[%add3A_194, %dma_start3A_195] : memref<80x125xi32, #tpu.memory_space<vmem>> -> memref<1x125xi32, #tpu.memory_space<vmem>>
        %dma_start3A_197 = tpu.memref_squeeze %dma_start3A_196 : memref<1x125xi32, #tpu.memory_space<vmem>> -> memref<125xi32, #tpu.memory_space<vmem>>
        %dma_start3A_198 = arith.constant 0 : i32
        %dma_start3A_199 = arith.constant 0 : i32
        %dma_start3A_200 = tpu.memref_slice %arg2[%dma_start3A_198, %dma_start3A_199] : memref<10000x64xf32, #tpu.memory_space<hbm>> -> memref<10000x64xf32, #tpu.memory_space<hbm>>
        tpu.enqueue_indirect_dma source(%dma_start3A_200 : memref<10000x64xf32, #tpu.memory_space<hbm>>) target(%arg10 : memref<125x64xf32, #tpu.memory_space<vmem>>) offsets(%dma_start3A_197 : memref<125xi32, #tpu.memory_space<vmem>>) semaphore(%arg15 : memref<!tpu.dma_semaphore, #tpu.memory_space<semaphore_mem>>)
      } else {
      }
    }
    %scan3A_61 = arith.constant 20 : i32
    %dma_wait3A_62 = arith.constant 76 : i32
    %dma_wait3A_63 = arith.constant 0 : i32
    %dma_wait3A_64 = tpu.memref_slice %arg8[%dma_wait3A_62, %dma_wait3A_63] : memref<80x125xi32, #tpu.memory_space<vmem>> -> memref<1x125xi32, #tpu.memory_space<vmem>>
    %dma_wait3A_65 = tpu.memref_squeeze %dma_wait3A_64 : memref<1x125xi32, #tpu.memory_space<vmem>> -> memref<125xi32, #tpu.memory_space<vmem>>
    %dma_wait3A_66 = arith.constant 0 : i32
    %dma_wait3A_67 = arith.constant 0 : i32
    %dma_wait3A_68 = tpu.memref_slice %arg13[%dma_wait3A_66, %dma_wait3A_67] : memref<10000x64xf32, #tpu.memory_space<vmem_shared>> -> memref<10000x64xf32, #tpu.memory_space<vmem_shared>>
    tpu.wait_indirect_dma semaphore(%arg18 : memref<!tpu.dma_semaphore, #tpu.memory_space<semaphore_mem>>) src(%arg9 : memref<125x64xf32, #tpu.memory_space<vmem>>) dst(%dma_wait3A_68 : memref<10000x64xf32, #tpu.memory_space<vmem_shared>>)
    %dma_wait3A_69 = arith.constant 77 : i32
    %dma_wait3A_70 = arith.constant 0 : i32
    %dma_wait3A_71 = tpu.memref_slice %arg8[%dma_wait3A_69, %dma_wait3A_70] : memref<80x125xi32, #tpu.memory_space<vmem>> -> memref<1x125xi32, #tpu.memory_space<vmem>>
    %dma_wait3A_72 = tpu.memref_squeeze %dma_wait3A_71 : memref<1x125xi32, #tpu.memory_space<vmem>> -> memref<125xi32, #tpu.memory_space<vmem>>
    %dma_wait3A_73 = arith.constant 0 : i32
    %dma_wait3A_74 = arith.constant 0 : i32
    %dma_wait3A_75 = tpu.memref_slice %arg13[%dma_wait3A_73, %dma_wait3A_74] : memref<10000x64xf32, #tpu.memory_space<vmem_shared>> -> memref<10000x64xf32, #tpu.memory_space<vmem_shared>>
    tpu.wait_indirect_dma semaphore(%arg19 : memref<!tpu.dma_semaphore, #tpu.memory_space<semaphore_mem>>) src(%arg10 : memref<125x64xf32, #tpu.memory_space<vmem>>) dst(%dma_wait3A_75 : memref<10000x64xf32, #tpu.memory_space<vmem_shared>>)
    %dma_wait3A_76 = arith.constant 78 : i32
    %dma_wait3A_77 = arith.constant 0 : i32
    %dma_wait3A_78 = tpu.memref_slice %arg8[%dma_wait3A_76, %dma_wait3A_77] : memref<80x125xi32, #tpu.memory_space<vmem>> -> memref<1x125xi32, #tpu.memory_space<vmem>>
    %dma_wait3A_79 = tpu.memref_squeeze %dma_wait3A_78 : memref<1x125xi32, #tpu.memory_space<vmem>> -> memref<125xi32, #tpu.memory_space<vmem>>
    %dma_wait3A_80 = arith.constant 0 : i32
    %dma_wait3A_81 = arith.constant 0 : i32
    %dma_wait3A_82 = tpu.memref_slice %arg13[%dma_wait3A_80, %dma_wait3A_81] : memref<10000x64xf32, #tpu.memory_space<vmem_shared>> -> memref<10000x64xf32, #tpu.memory_space<vmem_shared>>
    tpu.wait_indirect_dma semaphore(%arg20 : memref<!tpu.dma_semaphore, #tpu.memory_space<semaphore_mem>>) src(%arg11 : memref<125x64xf32, #tpu.memory_space<vmem>>) dst(%dma_wait3A_82 : memref<10000x64xf32, #tpu.memory_space<vmem_shared>>)
    %dma_wait3A_83 = arith.constant 79 : i32
    %dma_wait3A_84 = arith.constant 0 : i32
    %dma_wait3A_85 = tpu.memref_slice %arg8[%dma_wait3A_83, %dma_wait3A_84] : memref<80x125xi32, #tpu.memory_space<vmem>> -> memref<1x125xi32, #tpu.memory_space<vmem>>
    %dma_wait3A_86 = tpu.memref_squeeze %dma_wait3A_85 : memref<1x125xi32, #tpu.memory_space<vmem>> -> memref<125xi32, #tpu.memory_space<vmem>>
    %dma_wait3A_87 = arith.constant 0 : i32
    %dma_wait3A_88 = arith.constant 0 : i32
    %dma_wait3A_89 = tpu.memref_slice %arg13[%dma_wait3A_87, %dma_wait3A_88] : memref<10000x64xf32, #tpu.memory_space<vmem_shared>> -> memref<10000x64xf32, #tpu.memory_space<vmem_shared>>
    tpu.wait_indirect_dma semaphore(%arg21 : memref<!tpu.dma_semaphore, #tpu.memory_space<semaphore_mem>>) src(%arg12 : memref<125x64xf32, #tpu.memory_space<vmem>>) dst(%dma_wait3A_89 : memref<10000x64xf32, #tpu.memory_space<vmem_shared>>)
    %barrier3A_90 = arith.constant 0 : index
    tpu.barrier barrier_id(%barrier3A_90)
    %mul3A_91 = arith.constant 624 : i32
    %mul3A_92 = arith.muli %arg1, %mul3A_91 : i32
    "tpu.region"() ({
      %run_scoped3A = tpu.sem_alloc : memref<!tpu.dma_semaphore, #tpu.memory_space<semaphore_mem>>
      %dma_start3A_98 = arith.constant 0 : i32
      %dma_start3A_99 = tpu.memref_slice %arg6[%arg0, %mul3A_92, %dma_start3A_98] : memref<2x10000x64xf32, #tpu.memory_space<hbm>> -> memref<1x624x64xf32, #tpu.memory_space<hbm>>
      %dma_start3A_100 = tpu.memref_squeeze %dma_start3A_99 : memref<1x624x64xf32, #tpu.memory_space<hbm>> -> memref<624x64xf32, #tpu.memory_space<hbm>>
      %dma_start3A_101 = arith.constant 0 : i32
      %dma_start3A_102 = tpu.memref_slice %arg13[%mul3A_92, %dma_start3A_101] : memref<10000x64xf32, #tpu.memory_space<vmem_shared>> -> memref<624x64xf32, #tpu.memory_space<vmem_shared>>
      tpu.enqueue_dma source(%dma_start3A_102 : memref<624x64xf32, #tpu.memory_space<vmem_shared>>) target(%dma_start3A_100 : memref<624x64xf32, #tpu.memory_space<hbm>>) target_semaphore(%run_scoped3A : memref<!tpu.dma_semaphore, #tpu.memory_space<semaphore_mem>>)
      %dma_wait3A_103 = arith.constant 0 : i32
      %dma_wait3A_104 = tpu.memref_slice %arg6[%arg0, %mul3A_92, %dma_wait3A_103] : memref<2x10000x64xf32, #tpu.memory_space<hbm>> -> memref<1x624x64xf32, #tpu.memory_space<hbm>>
      %dma_wait3A_105 = tpu.memref_squeeze %dma_wait3A_104 : memref<1x624x64xf32, #tpu.memory_space<hbm>> -> memref<624x64xf32, #tpu.memory_space<hbm>>
      %dma_wait3A_106 = arith.constant 0 : i32
      %dma_wait3A_107 = tpu.memref_slice %arg13[%mul3A_92, %dma_wait3A_106] : memref<10000x64xf32, #tpu.memory_space<vmem_shared>> -> memref<624x64xf32, #tpu.memory_space<vmem_shared>>
      tpu.wait_dma2 semaphore(%run_scoped3A : memref<!tpu.dma_semaphore, #tpu.memory_space<semaphore_mem>>) src(%dma_wait3A_107 : memref<624x64xf32, #tpu.memory_space<vmem_shared>>) dst(%dma_wait3A_105 : memref<624x64xf32, #tpu.memory_space<hbm>>)
      tpu.yield
    }) : () -> ()
    %eq3A_93 = arith.constant 15 : i32
    %eq3A_94 = arith.cmpi eq, %arg1, %eq3A_93 : i32
    %convert_element_type3A_95 = arith.extui %eq3A_94 : i1 to i32
    %cond3A_96 = arith.constant 0 : i32
    %cond3A_97 = arith.cmpi ne, %convert_element_type3A_95, %cond3A_96 : i32
    scf.if %cond3A_97 {
      "tpu.region"() ({
        %run_scoped3A = tpu.sem_alloc : memref<!tpu.dma_semaphore, #tpu.memory_space<semaphore_mem>>
        %dma_start3A_98 = arith.constant 9984 : i32
        %dma_start3A_99 = arith.constant 0 : i32
        %dma_start3A_100 = tpu.memref_slice %arg6[%arg0, %dma_start3A_98, %dma_start3A_99] : memref<2x10000x64xf32, #tpu.memory_space<hbm>> -> memref<1x16x64xf32, #tpu.memory_space<hbm>>
        %dma_start3A_101 = tpu.memref_squeeze %dma_start3A_100 : memref<1x16x64xf32, #tpu.memory_space<hbm>> -> memref<16x64xf32, #tpu.memory_space<hbm>>
        %dma_start3A_102 = arith.constant 9984 : i32
        %dma_start3A_103 = arith.constant 0 : i32
        %dma_start3A_104 = tpu.memref_slice %arg13[%dma_start3A_102, %dma_start3A_103] : memref<10000x64xf32, #tpu.memory_space<vmem_shared>> -> memref<16x64xf32, #tpu.memory_space<vmem_shared>>
        tpu.enqueue_dma source(%dma_start3A_104 : memref<16x64xf32, #tpu.memory_space<vmem_shared>>) target(%dma_start3A_101 : memref<16x64xf32, #tpu.memory_space<hbm>>) target_semaphore(%run_scoped3A : memref<!tpu.dma_semaphore, #tpu.memory_space<semaphore_mem>>)
        %dma_wait3A_105 = arith.constant 9984 : i32
        %dma_wait3A_106 = arith.constant 0 : i32
        %dma_wait3A_107 = tpu.memref_slice %arg6[%arg0, %dma_wait3A_105, %dma_wait3A_106] : memref<2x10000x64xf32, #tpu.memory_space<hbm>> -> memref<1x16x64xf32, #tpu.memory_space<hbm>>
        %dma_wait3A_108 = tpu.memref_squeeze %dma_wait3A_107 : memref<1x16x64xf32, #tpu.memory_space<hbm>> -> memref<16x64xf32, #tpu.memory_space<hbm>>
        %dma_wait3A_109 = arith.constant 9984 : i32
        %dma_wait3A_110 = arith.constant 0 : i32
        %dma_wait3A_111 = tpu.memref_slice %arg13[%dma_wait3A_109, %dma_wait3A_110] : memref<10000x64xf32, #tpu.memory_space<vmem_shared>> -> memref<16x64xf32, #tpu.memory_space<vmem_shared>>
        tpu.wait_dma2 semaphore(%run_scoped3A : memref<!tpu.dma_semaphore, #tpu.memory_space<semaphore_mem>>) src(%dma_wait3A_111 : memref<16x64xf32, #tpu.memory_space<vmem_shared>>) dst(%dma_wait3A_108 : memref<16x64xf32, #tpu.memory_space<hbm>>)
        tpu.yield
      }) : () -> ()
    } else {
    }
    return
  }
}

#map = affine_map<(d0, d1) -> (0, 0, 0)>
#map1 = affine_map<(d0, d1) -> (0, 0)>
module attributes {stable_mosaic.version = 14 : i64} {
  func.func @body(%arg0: i32, %arg1: i32, %arg2: memref<2x10000x64xf32, #tpu.memory_space<hbm>>, %arg3: memref<16x160x125xi32, #tpu.memory_space<hbm>>, %arg4: memref<16x160x125xi32, #tpu.memory_space<hbm>>, %arg5: memref<625x64xf32, #tpu.memory_space<hbm>>, %arg6: memref<125x16xf32, #tpu.memory_space<hbm>>, %arg7: memref<625x16xf32, #tpu.memory_space<hbm>>, %arg8: memref<2x10000x64xf32, #tpu.memory_space<hbm>>, %arg9: memref<2x10000x16xf32, #tpu.memory_space<hbm>>, %arg10: memref<160x125xi32, #tpu.memory_space<vmem>>, %arg11: memref<160x125xi32, #tpu.memory_space<vmem>>, %arg12: memref<125x64xf32, #tpu.memory_space<vmem>>, %arg13: memref<125x64xf32, #tpu.memory_space<vmem>>, %arg14: memref<125x64xf32, #tpu.memory_space<vmem>>, %arg15: memref<125x64xf32, #tpu.memory_space<vmem>>, %arg16: memref<10000x64xf32, #tpu.memory_space<vmem_shared>>, %arg17: memref<!tpu.dma_semaphore, #tpu.memory_space<semaphore_mem>>, %arg18: memref<!tpu.dma_semaphore, #tpu.memory_space<semaphore_mem>>, %arg19: memref<!tpu.dma_semaphore, #tpu.memory_space<semaphore_mem>>, %arg20: memref<!tpu.dma_semaphore, #tpu.memory_space<semaphore_mem>>, %arg21: memref<!tpu.dma_semaphore, #tpu.memory_space<semaphore_mem>>, %arg22: memref<!tpu.dma_semaphore, #tpu.memory_space<semaphore_mem>>, %arg23: memref<!tpu.dma_semaphore, #tpu.memory_space<semaphore_mem>>, %arg24: memref<!tpu.dma_semaphore, #tpu.memory_space<semaphore_mem>>, %arg25: memref<125x16xf32, #tpu.memory_space<vmem>>, %arg26: memref<10000x16xf32, #tpu.memory_space<vmem_shared>>, %arg27: memref<!tpu.dma_semaphore, #tpu.memory_space<semaphore_mem>>, %arg28: memref<!tpu.dma_semaphore, #tpu.memory_space<semaphore_mem>>) attributes {dimension_semantics = [#tpu.dimension_semantics<core_parallel>, #tpu.dimension_semantics<subcore_parallel>], iteration_bounds = array<i64: 2, 16>, scalar_prefetch = 0 : i64, scratch_operands = 19 : i64, tpu.core_type = #tpu.core_type<sc_vector_subcore>, window_params = [{transform_indices = #map}, {transform_indices = #map}, {transform_indices = #map}, {transform_indices = #map1}, {transform_indices = #map1}, {transform_indices = #map1}, {transform_indices = #map}, {transform_indices = #map}]} {
    %dma_start3A = arith.constant 0 : i32
    %dma_start3A_0 = arith.constant 0 : i32
    %dma_start3A_1 = tpu.memref_slice %arg3[%arg1, %dma_start3A, %dma_start3A_0] : memref<16x160x125xi32, #tpu.memory_space<hbm>> -> memref<1x160x125xi32, #tpu.memory_space<hbm>>
    %dma_start3A_2 = tpu.memref_squeeze %dma_start3A_1 : memref<1x160x125xi32, #tpu.memory_space<hbm>> -> memref<160x125xi32, #tpu.memory_space<hbm>>
    %dma_start3A_3 = arith.constant 0 : i32
    %dma_start3A_4 = arith.constant 0 : i32
    %dma_start3A_5 = tpu.memref_slice %arg3[%arg1, %dma_start3A_3, %dma_start3A_4] : memref<16x160x125xi32, #tpu.memory_space<hbm>> -> memref<1x160x125xi32, #tpu.memory_space<hbm>>
    %dma_start3A_6 = tpu.memref_squeeze %dma_start3A_5 : memref<1x160x125xi32, #tpu.memory_space<hbm>> -> memref<160x125xi32, #tpu.memory_space<hbm>>
    tpu.enqueue_dma source(%dma_start3A_6 : memref<160x125xi32, #tpu.memory_space<hbm>>) target(%arg10 : memref<160x125xi32, #tpu.memory_space<vmem>>) target_semaphore(%arg17 : memref<!tpu.dma_semaphore, #tpu.memory_space<semaphore_mem>>)
    %dma_start3A_7 = arith.constant 0 : i32
    %dma_start3A_8 = arith.constant 0 : i32
    %dma_start3A_9 = tpu.memref_slice %arg4[%arg1, %dma_start3A_7, %dma_start3A_8] : memref<16x160x125xi32, #tpu.memory_space<hbm>> -> memref<1x160x125xi32, #tpu.memory_space<hbm>>
    %dma_start3A_10 = tpu.memref_squeeze %dma_start3A_9 : memref<1x160x125xi32, #tpu.memory_space<hbm>> -> memref<160x125xi32, #tpu.memory_space<hbm>>
    %dma_start3A_11 = arith.constant 0 : i32
    %dma_start3A_12 = arith.constant 0 : i32
    %dma_start3A_13 = tpu.memref_slice %arg4[%arg1, %dma_start3A_11, %dma_start3A_12] : memref<16x160x125xi32, #tpu.memory_space<hbm>> -> memref<1x160x125xi32, #tpu.memory_space<hbm>>
    %dma_start3A_14 = tpu.memref_squeeze %dma_start3A_13 : memref<1x160x125xi32, #tpu.memory_space<hbm>> -> memref<160x125xi32, #tpu.memory_space<hbm>>
    tpu.enqueue_dma source(%dma_start3A_14 : memref<160x125xi32, #tpu.memory_space<hbm>>) target(%arg11 : memref<160x125xi32, #tpu.memory_space<vmem>>) target_semaphore(%arg18 : memref<!tpu.dma_semaphore, #tpu.memory_space<semaphore_mem>>)
    %mul3A = arith.constant 624 : i32
    %mul3A_15 = arith.muli %arg1, %mul3A : i32
    %dma_start3A_16 = arith.constant 0 : i32
    %dma_start3A_17 = tpu.memref_slice %arg16[%mul3A_15, %dma_start3A_16] : memref<10000x64xf32, #tpu.memory_space<vmem_shared>> -> memref<624x64xf32, #tpu.memory_space<vmem_shared>>
    %dma_start3A_18 = arith.constant 0 : i32
    %dma_start3A_19 = arith.constant 0 : i32
    %dma_start3A_20 = tpu.memref_slice %arg5[%dma_start3A_18, %dma_start3A_19] : memref<625x64xf32, #tpu.memory_space<hbm>> -> memref<624x64xf32, #tpu.memory_space<hbm>>
    tpu.enqueue_dma source(%dma_start3A_20 : memref<624x64xf32, #tpu.memory_space<hbm>>) target(%dma_start3A_17 : memref<624x64xf32, #tpu.memory_space<vmem_shared>>) target_semaphore(%arg19 : memref<!tpu.dma_semaphore, #tpu.memory_space<semaphore_mem>>)
    tpu.enqueue_dma source(%arg6 : memref<125x16xf32, #tpu.memory_space<hbm>>) target(%arg25 : memref<125x16xf32, #tpu.memory_space<vmem>>) target_semaphore(%arg20 : memref<!tpu.dma_semaphore, #tpu.memory_space<semaphore_mem>>)
    %mul3A_21 = arith.constant 624 : i32
    %mul3A_22 = arith.muli %arg1, %mul3A_21 : i32
    %dma_start3A_23 = arith.constant 0 : i32
    %dma_start3A_24 = tpu.memref_slice %arg26[%mul3A_22, %dma_start3A_23] : memref<10000x16xf32, #tpu.memory_space<vmem_shared>> -> memref<624x16xf32, #tpu.memory_space<vmem_shared>>
    %dma_start3A_25 = arith.constant 0 : i32
    %dma_start3A_26 = arith.constant 0 : i32
    %dma_start3A_27 = tpu.memref_slice %arg7[%dma_start3A_25, %dma_start3A_26] : memref<625x16xf32, #tpu.memory_space<hbm>> -> memref<624x16xf32, #tpu.memory_space<hbm>>
    tpu.enqueue_dma source(%dma_start3A_27 : memref<624x16xf32, #tpu.memory_space<hbm>>) target(%dma_start3A_24 : memref<624x16xf32, #tpu.memory_space<vmem_shared>>) target_semaphore(%arg27 : memref<!tpu.dma_semaphore, #tpu.memory_space<semaphore_mem>>)
    %dma_wait3A = arith.constant 0 : i32
    %dma_wait3A_28 = arith.constant 0 : i32
    %dma_wait3A_29 = tpu.memref_slice %arg3[%arg1, %dma_wait3A, %dma_wait3A_28] : memref<16x160x125xi32, #tpu.memory_space<hbm>> -> memref<1x160x125xi32, #tpu.memory_space<hbm>>
    %dma_wait3A_30 = tpu.memref_squeeze %dma_wait3A_29 : memref<1x160x125xi32, #tpu.memory_space<hbm>> -> memref<160x125xi32, #tpu.memory_space<hbm>>
    %dma_wait3A_31 = arith.constant 0 : i32
    %dma_wait3A_32 = arith.constant 0 : i32
    %dma_wait3A_33 = tpu.memref_slice %arg3[%arg1, %dma_wait3A_31, %dma_wait3A_32] : memref<16x160x125xi32, #tpu.memory_space<hbm>> -> memref<1x160x125xi32, #tpu.memory_space<hbm>>
    %dma_wait3A_34 = tpu.memref_squeeze %dma_wait3A_33 : memref<1x160x125xi32, #tpu.memory_space<hbm>> -> memref<160x125xi32, #tpu.memory_space<hbm>>
    tpu.wait_dma2 semaphore(%arg17 : memref<!tpu.dma_semaphore, #tpu.memory_space<semaphore_mem>>) src(%dma_wait3A_34 : memref<160x125xi32, #tpu.memory_space<hbm>>) dst(%arg10 : memref<160x125xi32, #tpu.memory_space<vmem>>)
    %dma_wait3A_35 = arith.constant 0 : i32
    %dma_wait3A_36 = arith.constant 0 : i32
    %dma_wait3A_37 = tpu.memref_slice %arg4[%arg1, %dma_wait3A_35, %dma_wait3A_36] : memref<16x160x125xi32, #tpu.memory_space<hbm>> -> memref<1x160x125xi32, #tpu.memory_space<hbm>>
    %dma_wait3A_38 = tpu.memref_squeeze %dma_wait3A_37 : memref<1x160x125xi32, #tpu.memory_space<hbm>> -> memref<160x125xi32, #tpu.memory_space<hbm>>
    %dma_wait3A_39 = arith.constant 0 : i32
    %dma_wait3A_40 = arith.constant 0 : i32
    %dma_wait3A_41 = tpu.memref_slice %arg4[%arg1, %dma_wait3A_39, %dma_wait3A_40] : memref<16x160x125xi32, #tpu.memory_space<hbm>> -> memref<1x160x125xi32, #tpu.memory_space<hbm>>
    %dma_wait3A_42 = tpu.memref_squeeze %dma_wait3A_41 : memref<1x160x125xi32, #tpu.memory_space<hbm>> -> memref<160x125xi32, #tpu.memory_space<hbm>>
    tpu.wait_dma2 semaphore(%arg18 : memref<!tpu.dma_semaphore, #tpu.memory_space<semaphore_mem>>) src(%dma_wait3A_42 : memref<160x125xi32, #tpu.memory_space<hbm>>) dst(%arg11 : memref<160x125xi32, #tpu.memory_space<vmem>>)
    %dma_wait3A_43 = arith.constant 0 : i32
    %dma_wait3A_44 = tpu.memref_slice %arg16[%mul3A_15, %dma_wait3A_43] : memref<10000x64xf32, #tpu.memory_space<vmem_shared>> -> memref<624x64xf32, #tpu.memory_space<vmem_shared>>
    %dma_wait3A_45 = arith.constant 0 : i32
    %dma_wait3A_46 = arith.constant 0 : i32
    %dma_wait3A_47 = tpu.memref_slice %arg5[%dma_wait3A_45, %dma_wait3A_46] : memref<625x64xf32, #tpu.memory_space<hbm>> -> memref<624x64xf32, #tpu.memory_space<hbm>>
    tpu.wait_dma2 semaphore(%arg19 : memref<!tpu.dma_semaphore, #tpu.memory_space<semaphore_mem>>) src(%dma_wait3A_47 : memref<624x64xf32, #tpu.memory_space<hbm>>) dst(%dma_wait3A_44 : memref<624x64xf32, #tpu.memory_space<vmem_shared>>)
    tpu.wait_dma2 semaphore(%arg20 : memref<!tpu.dma_semaphore, #tpu.memory_space<semaphore_mem>>) src(%arg6 : memref<125x16xf32, #tpu.memory_space<hbm>>) dst(%arg25 : memref<125x16xf32, #tpu.memory_space<vmem>>)
    %dma_wait3A_48 = arith.constant 0 : i32
    %dma_wait3A_49 = tpu.memref_slice %arg26[%mul3A_22, %dma_wait3A_48] : memref<10000x16xf32, #tpu.memory_space<vmem_shared>> -> memref<624x16xf32, #tpu.memory_space<vmem_shared>>
    %dma_wait3A_50 = arith.constant 0 : i32
    %dma_wait3A_51 = arith.constant 0 : i32
    %dma_wait3A_52 = tpu.memref_slice %arg7[%dma_wait3A_50, %dma_wait3A_51] : memref<625x16xf32, #tpu.memory_space<hbm>> -> memref<624x16xf32, #tpu.memory_space<hbm>>
    tpu.wait_dma2 semaphore(%arg27 : memref<!tpu.dma_semaphore, #tpu.memory_space<semaphore_mem>>) src(%dma_wait3A_52 : memref<624x16xf32, #tpu.memory_space<hbm>>) dst(%dma_wait3A_49 : memref<624x16xf32, #tpu.memory_space<vmem_shared>>)
    %eq3A = arith.constant 15 : i32
    %eq3A_53 = arith.cmpi eq, %arg1, %eq3A : i32
    %convert_element_type3A = arith.extui %eq3A_53 : i1 to i32
    %cond3A = arith.constant 0 : i32
    %cond3A_54 = arith.cmpi ne, %convert_element_type3A, %cond3A : i32
    scf.if %cond3A_54 {
      "tpu.region"() ({
        %run_scoped3A = tpu.sem_alloc : memref<!tpu.dma_semaphore, #tpu.memory_space<semaphore_mem>>
        %dma_start3A_132 = arith.constant 9984 : i32
        %dma_start3A_133 = arith.constant 0 : i32
        %dma_start3A_134 = tpu.memref_slice %arg16[%dma_start3A_132, %dma_start3A_133] : memref<10000x64xf32, #tpu.memory_space<vmem_shared>> -> memref<16x64xf32, #tpu.memory_space<vmem_shared>>
        %dma_start3A_135 = arith.constant 0 : i32
        %dma_start3A_136 = arith.constant 0 : i32
        %dma_start3A_137 = tpu.memref_slice %arg5[%dma_start3A_135, %dma_start3A_136] : memref<625x64xf32, #tpu.memory_space<hbm>> -> memref<16x64xf32, #tpu.memory_space<hbm>>
        tpu.enqueue_dma source(%dma_start3A_137 : memref<16x64xf32, #tpu.memory_space<hbm>>) target(%dma_start3A_134 : memref<16x64xf32, #tpu.memory_space<vmem_shared>>) target_semaphore(%run_scoped3A : memref<!tpu.dma_semaphore, #tpu.memory_space<semaphore_mem>>)
        %dma_wait3A_138 = arith.constant 9984 : i32
        %dma_wait3A_139 = arith.constant 0 : i32
        %dma_wait3A_140 = tpu.memref_slice %arg16[%dma_wait3A_138, %dma_wait3A_139] : memref<10000x64xf32, #tpu.memory_space<vmem_shared>> -> memref<16x64xf32, #tpu.memory_space<vmem_shared>>
        %dma_wait3A_141 = arith.constant 0 : i32
        %dma_wait3A_142 = arith.constant 0 : i32
        %dma_wait3A_143 = tpu.memref_slice %arg5[%dma_wait3A_141, %dma_wait3A_142] : memref<625x64xf32, #tpu.memory_space<hbm>> -> memref<16x64xf32, #tpu.memory_space<hbm>>
        tpu.wait_dma2 semaphore(%run_scoped3A : memref<!tpu.dma_semaphore, #tpu.memory_space<semaphore_mem>>) src(%dma_wait3A_143 : memref<16x64xf32, #tpu.memory_space<hbm>>) dst(%dma_wait3A_140 : memref<16x64xf32, #tpu.memory_space<vmem_shared>>)
        tpu.yield
      }) : () -> ()
      "tpu.region"() ({
        %run_scoped3A = tpu.sem_alloc : memref<!tpu.dma_semaphore, #tpu.memory_space<semaphore_mem>>
        %dma_start3A_132 = arith.constant 9984 : i32
        %dma_start3A_133 = arith.constant 0 : i32
        %dma_start3A_134 = tpu.memref_slice %arg26[%dma_start3A_132, %dma_start3A_133] : memref<10000x16xf32, #tpu.memory_space<vmem_shared>> -> memref<16x16xf32, #tpu.memory_space<vmem_shared>>
        %dma_start3A_135 = arith.constant 0 : i32
        %dma_start3A_136 = arith.constant 0 : i32
        %dma_start3A_137 = tpu.memref_slice %arg7[%dma_start3A_135, %dma_start3A_136] : memref<625x16xf32, #tpu.memory_space<hbm>> -> memref<16x16xf32, #tpu.memory_space<hbm>>
        tpu.enqueue_dma source(%dma_start3A_137 : memref<16x16xf32, #tpu.memory_space<hbm>>) target(%dma_start3A_134 : memref<16x16xf32, #tpu.memory_space<vmem_shared>>) target_semaphore(%run_scoped3A : memref<!tpu.dma_semaphore, #tpu.memory_space<semaphore_mem>>)
        %dma_wait3A_138 = arith.constant 9984 : i32
        %dma_wait3A_139 = arith.constant 0 : i32
        %dma_wait3A_140 = tpu.memref_slice %arg26[%dma_wait3A_138, %dma_wait3A_139] : memref<10000x16xf32, #tpu.memory_space<vmem_shared>> -> memref<16x16xf32, #tpu.memory_space<vmem_shared>>
        %dma_wait3A_141 = arith.constant 0 : i32
        %dma_wait3A_142 = arith.constant 0 : i32
        %dma_wait3A_143 = tpu.memref_slice %arg7[%dma_wait3A_141, %dma_wait3A_142] : memref<625x16xf32, #tpu.memory_space<hbm>> -> memref<16x16xf32, #tpu.memory_space<hbm>>
        tpu.wait_dma2 semaphore(%run_scoped3A : memref<!tpu.dma_semaphore, #tpu.memory_space<semaphore_mem>>) src(%dma_wait3A_143 : memref<16x16xf32, #tpu.memory_space<hbm>>) dst(%dma_wait3A_140 : memref<16x16xf32, #tpu.memory_space<vmem_shared>>)
        tpu.yield
      }) : () -> ()
    } else {
    }
    %barrier3A = arith.constant 0 : index
    tpu.barrier barrier_id(%barrier3A)
    %dma_start3A_55 = arith.constant 0 : i32
    %dma_start3A_56 = arith.constant 0 : i32
    %dma_start3A_57 = tpu.memref_slice %arg10[%dma_start3A_55, %dma_start3A_56] : memref<160x125xi32, #tpu.memory_space<vmem>> -> memref<1x125xi32, #tpu.memory_space<vmem>>
    %dma_start3A_58 = tpu.memref_squeeze %dma_start3A_57 : memref<1x125xi32, #tpu.memory_space<vmem>> -> memref<125xi32, #tpu.memory_space<vmem>>
    %dma_start3A_59 = arith.constant 0 : i32
    %dma_start3A_60 = arith.constant 0 : i32
    %dma_start3A_61 = tpu.memref_slice %arg2[%arg0, %dma_start3A_59, %dma_start3A_60] : memref<2x10000x64xf32, #tpu.memory_space<hbm>> -> memref<1x10000x64xf32, #tpu.memory_space<hbm>>
    %dma_start3A_62 = tpu.memref_squeeze %dma_start3A_61 : memref<1x10000x64xf32, #tpu.memory_space<hbm>> -> memref<10000x64xf32, #tpu.memory_space<hbm>>
    %dma_start3A_63 = arith.constant 0 : i32
    %dma_start3A_64 = arith.constant 0 : i32
    %dma_start3A_65 = tpu.memref_slice %dma_start3A_62[%dma_start3A_63, %dma_start3A_64] : memref<10000x64xf32, #tpu.memory_space<hbm>> -> memref<10000x64xf32, #tpu.memory_space<hbm>>
    tpu.enqueue_indirect_dma source(%dma_start3A_65 : memref<10000x64xf32, #tpu.memory_space<hbm>>) target(%arg12 : memref<125x64xf32, #tpu.memory_space<vmem>>) offsets(%dma_start3A_58 : memref<125xi32, #tpu.memory_space<vmem>>) semaphore(%arg17 : memref<!tpu.dma_semaphore, #tpu.memory_space<semaphore_mem>>)
    %dma_start3A_66 = arith.constant 1 : i32
    %dma_start3A_67 = arith.constant 0 : i32
    %dma_start3A_68 = tpu.memref_slice %arg10[%dma_start3A_66, %dma_start3A_67] : memref<160x125xi32, #tpu.memory_space<vmem>> -> memref<1x125xi32, #tpu.memory_space<vmem>>
    %dma_start3A_69 = tpu.memref_squeeze %dma_start3A_68 : memref<1x125xi32, #tpu.memory_space<vmem>> -> memref<125xi32, #tpu.memory_space<vmem>>
    %dma_start3A_70 = arith.constant 0 : i32
    %dma_start3A_71 = arith.constant 0 : i32
    %dma_start3A_72 = tpu.memref_slice %arg2[%arg0, %dma_start3A_70, %dma_start3A_71] : memref<2x10000x64xf32, #tpu.memory_space<hbm>> -> memref<1x10000x64xf32, #tpu.memory_space<hbm>>
    %dma_start3A_73 = tpu.memref_squeeze %dma_start3A_72 : memref<1x10000x64xf32, #tpu.memory_space<hbm>> -> memref<10000x64xf32, #tpu.memory_space<hbm>>
    %dma_start3A_74 = arith.constant 0 : i32
    %dma_start3A_75 = arith.constant 0 : i32
    %dma_start3A_76 = tpu.memref_slice %dma_start3A_73[%dma_start3A_74, %dma_start3A_75] : memref<10000x64xf32, #tpu.memory_space<hbm>> -> memref<10000x64xf32, #tpu.memory_space<hbm>>
    tpu.enqueue_indirect_dma source(%dma_start3A_76 : memref<10000x64xf32, #tpu.memory_space<hbm>>) target(%arg13 : memref<125x64xf32, #tpu.memory_space<vmem>>) offsets(%dma_start3A_69 : memref<125xi32, #tpu.memory_space<vmem>>) semaphore(%arg18 : memref<!tpu.dma_semaphore, #tpu.memory_space<semaphore_mem>>)
    %scan3A = arith.constant 0 : i32
    %scan3A_77 = arith.constant 0 : i32
    %scan3A_78 = arith.constant 40 : i32
    %scan3A_79 = arith.addi %scan3A_77, %scan3A_78 : i32
    %scan3A_80 = arith.constant 1 : i32
    scf.for %scan3A_132 = %scan3A_77 to %scan3A_79 step %scan3A_80  : i32 {
      %mul3A_133 = arith.constant 4 : i32
      %mul3A_134 = arith.muli %mul3A_133, %scan3A_132 : i32
      %add3A = arith.constant 0 : i32
      %add3A_135 = arith.addi %mul3A_134, %add3A : i32
      %dma_wait3A_136 = arith.constant 0 : i32
      %dma_wait3A_137 = tpu.memref_slice %arg10[%add3A_135, %dma_wait3A_136] : memref<160x125xi32, #tpu.memory_space<vmem>> -> memref<1x125xi32, #tpu.memory_space<vmem>>
      %dma_wait3A_138 = tpu.memref_squeeze %dma_wait3A_137 : memref<1x125xi32, #tpu.memory_space<vmem>> -> memref<125xi32, #tpu.memory_space<vmem>>
      %dma_wait3A_139 = arith.constant 0 : i32
      %dma_wait3A_140 = arith.constant 0 : i32
      %dma_wait3A_141 = tpu.memref_slice %arg2[%arg0, %dma_wait3A_139, %dma_wait3A_140] : memref<2x10000x64xf32, #tpu.memory_space<hbm>> -> memref<1x10000x64xf32, #tpu.memory_space<hbm>>
      %dma_wait3A_142 = tpu.memref_squeeze %dma_wait3A_141 : memref<1x10000x64xf32, #tpu.memory_space<hbm>> -> memref<10000x64xf32, #tpu.memory_space<hbm>>
      %dma_wait3A_143 = arith.constant 0 : i32
      %dma_wait3A_144 = arith.constant 0 : i32
      %dma_wait3A_145 = tpu.memref_slice %dma_wait3A_142[%dma_wait3A_143, %dma_wait3A_144] : memref<10000x64xf32, #tpu.memory_space<hbm>> -> memref<10000x64xf32, #tpu.memory_space<hbm>>
      tpu.wait_indirect_dma semaphore(%arg17 : memref<!tpu.dma_semaphore, #tpu.memory_space<semaphore_mem>>) src(%dma_wait3A_145 : memref<10000x64xf32, #tpu.memory_space<hbm>>) dst(%arg12 : memref<125x64xf32, #tpu.memory_space<vmem>>)
      %dma_start3A_146 = arith.constant 0 : i32
      %dma_start3A_147 = tpu.memref_slice %arg11[%add3A_135, %dma_start3A_146] : memref<160x125xi32, #tpu.memory_space<vmem>> -> memref<1x125xi32, #tpu.memory_space<vmem>>
      %dma_start3A_148 = tpu.memref_squeeze %dma_start3A_147 : memref<1x125xi32, #tpu.memory_space<vmem>> -> memref<125xi32, #tpu.memory_space<vmem>>
      %dma_start3A_149 = arith.constant 0 : i32
      %dma_start3A_150 = arith.constant 0 : i32
      %dma_start3A_151 = tpu.memref_slice %arg16[%dma_start3A_149, %dma_start3A_150] : memref<10000x64xf32, #tpu.memory_space<vmem_shared>> -> memref<10000x64xf32, #tpu.memory_space<vmem_shared>>
      tpu.enqueue_indirect_dma source(%arg12 : memref<125x64xf32, #tpu.memory_space<vmem>>) target(%dma_start3A_151 : memref<10000x64xf32, #tpu.memory_space<vmem_shared>>) offsets(%dma_start3A_148 : memref<125xi32, #tpu.memory_space<vmem>>) semaphore(%arg21 : memref<!tpu.dma_semaphore, #tpu.memory_space<semaphore_mem>>) {add = true}
      %mul3A_152 = arith.constant 80 : i32
      %mul3A_153 = arith.muli %arg0, %mul3A_152 : i32
      %ge3A = arith.cmpi sge, %add3A_135, %mul3A_153 : i32
      %add3A_154 = arith.constant 1 : i32
      %add3A_155 = arith.addi %arg0, %add3A_154 : i32
      %mul3A_156 = arith.constant 80 : i32
      %mul3A_157 = arith.muli %add3A_155, %mul3A_156 : i32
      %lt3A = arith.cmpi slt, %add3A_135, %mul3A_157 : i32
      %and3A = arith.andi %ge3A, %lt3A : i1
      %convert_element_type3A_158 = arith.extui %and3A : i1 to i32
      %cond3A_159 = arith.constant 0 : i32
      %cond3A_160 = arith.cmpi ne, %convert_element_type3A_158, %cond3A_159 : i32
      scf.if %cond3A_160 {
        %mul3A_285 = arith.constant 80 : i32
        %mul3A_286 = arith.muli %arg0, %mul3A_285 : i32
        %add3A_287 = arith.constant 2 : i32
        %add3A_288 = arith.addi %mul3A_286, %add3A_287 : i32
        %ge3A_289 = arith.cmpi sge, %add3A_135, %add3A_288 : i32
        %convert_element_type3A_290 = arith.extui %ge3A_289 : i1 to i32
        %cond3A_291 = arith.constant 0 : i32
        %cond3A_292 = arith.cmpi ne, %convert_element_type3A_290, %cond3A_291 : i32
        scf.if %cond3A_292 {
          %sub3A = arith.constant 2 : i32
          %sub3A_299 = arith.subi %add3A_135, %sub3A : i32
          %dma_wait3A_300 = arith.constant 0 : i32
          %dma_wait3A_301 = tpu.memref_slice %arg11[%sub3A_299, %dma_wait3A_300] : memref<160x125xi32, #tpu.memory_space<vmem>> -> memref<1x125xi32, #tpu.memory_space<vmem>>
          %dma_wait3A_302 = tpu.memref_squeeze %dma_wait3A_301 : memref<1x125xi32, #tpu.memory_space<vmem>> -> memref<125xi32, #tpu.memory_space<vmem>>
          %dma_wait3A_303 = arith.constant 0 : i32
          %dma_wait3A_304 = arith.constant 0 : i32
          %dma_wait3A_305 = tpu.memref_slice %arg26[%dma_wait3A_303, %dma_wait3A_304] : memref<10000x16xf32, #tpu.memory_space<vmem_shared>> -> memref<10000x16xf32, #tpu.memory_space<vmem_shared>>
          tpu.wait_indirect_dma semaphore(%arg27 : memref<!tpu.dma_semaphore, #tpu.memory_space<semaphore_mem>>) src(%arg25 : memref<125x16xf32, #tpu.memory_space<vmem>>) dst(%dma_wait3A_305 : memref<10000x16xf32, #tpu.memory_space<vmem_shared>>)
        } else {
        }
        %dma_start3A_293 = arith.constant 0 : i32
        %dma_start3A_294 = tpu.memref_slice %arg11[%add3A_135, %dma_start3A_293] : memref<160x125xi32, #tpu.memory_space<vmem>> -> memref<1x125xi32, #tpu.memory_space<vmem>>
        %dma_start3A_295 = tpu.memref_squeeze %dma_start3A_294 : memref<1x125xi32, #tpu.memory_space<vmem>> -> memref<125xi32, #tpu.memory_space<vmem>>
        %dma_start3A_296 = arith.constant 0 : i32
        %dma_start3A_297 = arith.constant 0 : i32
        %dma_start3A_298 = tpu.memref_slice %arg26[%dma_start3A_296, %dma_start3A_297] : memref<10000x16xf32, #tpu.memory_space<vmem_shared>> -> memref<10000x16xf32, #tpu.memory_space<vmem_shared>>
        tpu.enqueue_indirect_dma source(%arg25 : memref<125x16xf32, #tpu.memory_space<vmem>>) target(%dma_start3A_298 : memref<10000x16xf32, #tpu.memory_space<vmem_shared>>) offsets(%dma_start3A_295 : memref<125xi32, #tpu.memory_space<vmem>>) semaphore(%arg27 : memref<!tpu.dma_semaphore, #tpu.memory_space<semaphore_mem>>) {add = true}
      } else {
      }
      %add3A_161 = arith.constant 2 : i32
      %add3A_162 = arith.addi %add3A_135, %add3A_161 : i32
      %lt3A_163 = arith.constant 160 : i32
      %lt3A_164 = arith.cmpi slt, %add3A_162, %lt3A_163 : i32
      %convert_element_type3A_165 = arith.extui %lt3A_164 : i1 to i32
      %cond3A_166 = arith.constant 0 : i32
      %cond3A_167 = arith.cmpi ne, %convert_element_type3A_165, %cond3A_166 : i32
      scf.if %cond3A_167 {
        %ge3A_285 = arith.constant 2 : i32
        %ge3A_286 = arith.cmpi sge, %add3A_135, %ge3A_285 : i32
        %convert_element_type3A_287 = arith.extui %ge3A_286 : i1 to i32
        %cond3A_288 = arith.constant 0 : i32
        %cond3A_289 = arith.cmpi ne, %convert_element_type3A_287, %cond3A_288 : i32
        scf.if %cond3A_289 {
          %sub3A = arith.constant 2 : i32
          %sub3A_302 = arith.subi %add3A_135, %sub3A : i32
          %dma_wait3A_303 = arith.constant 0 : i32
          %dma_wait3A_304 = tpu.memref_slice %arg11[%sub3A_302, %dma_wait3A_303] : memref<160x125xi32, #tpu.memory_space<vmem>> -> memref<1x125xi32, #tpu.memory_space<vmem>>
          %dma_wait3A_305 = tpu.memref_squeeze %dma_wait3A_304 : memref<1x125xi32, #tpu.memory_space<vmem>> -> memref<125xi32, #tpu.memory_space<vmem>>
          %dma_wait3A_306 = arith.constant 0 : i32
          %dma_wait3A_307 = arith.constant 0 : i32
          %dma_wait3A_308 = tpu.memref_slice %arg16[%dma_wait3A_306, %dma_wait3A_307] : memref<10000x64xf32, #tpu.memory_space<vmem_shared>> -> memref<10000x64xf32, #tpu.memory_space<vmem_shared>>
          tpu.wait_indirect_dma semaphore(%arg23 : memref<!tpu.dma_semaphore, #tpu.memory_space<semaphore_mem>>) src(%arg14 : memref<125x64xf32, #tpu.memory_space<vmem>>) dst(%dma_wait3A_308 : memref<10000x64xf32, #tpu.memory_space<vmem_shared>>)
        } else {
        }
        %add3A_290 = arith.constant 2 : i32
        %add3A_291 = arith.addi %add3A_135, %add3A_290 : i32
        %dma_start3A_292 = arith.constant 0 : i32
        %dma_start3A_293 = tpu.memref_slice %arg10[%add3A_291, %dma_start3A_292] : memref<160x125xi32, #tpu.memory_space<vmem>> -> memref<1x125xi32, #tpu.memory_space<vmem>>
        %dma_start3A_294 = tpu.memref_squeeze %dma_start3A_293 : memref<1x125xi32, #tpu.memory_space<vmem>> -> memref<125xi32, #tpu.memory_space<vmem>>
        %dma_start3A_295 = arith.constant 0 : i32
        %dma_start3A_296 = arith.constant 0 : i32
        %dma_start3A_297 = tpu.memref_slice %arg2[%arg0, %dma_start3A_295, %dma_start3A_296] : memref<2x10000x64xf32, #tpu.memory_space<hbm>> -> memref<1x10000x64xf32, #tpu.memory_space<hbm>>
        %dma_start3A_298 = tpu.memref_squeeze %dma_start3A_297 : memref<1x10000x64xf32, #tpu.memory_space<hbm>> -> memref<10000x64xf32, #tpu.memory_space<hbm>>
        %dma_start3A_299 = arith.constant 0 : i32
        %dma_start3A_300 = arith.constant 0 : i32
        %dma_start3A_301 = tpu.memref_slice %dma_start3A_298[%dma_start3A_299, %dma_start3A_300] : memref<10000x64xf32, #tpu.memory_space<hbm>> -> memref<10000x64xf32, #tpu.memory_space<hbm>>
        tpu.enqueue_indirect_dma source(%dma_start3A_301 : memref<10000x64xf32, #tpu.memory_space<hbm>>) target(%arg14 : memref<125x64xf32, #tpu.memory_space<vmem>>) offsets(%dma_start3A_294 : memref<125xi32, #tpu.memory_space<vmem>>) semaphore(%arg19 : memref<!tpu.dma_semaphore, #tpu.memory_space<semaphore_mem>>)
      } else {
      }
      %mul3A_168 = arith.constant 4 : i32
      %mul3A_169 = arith.muli %mul3A_168, %scan3A_132 : i32
      %add3A_170 = arith.constant 1 : i32
      %add3A_171 = arith.addi %mul3A_169, %add3A_170 : i32
      %dma_wait3A_172 = arith.constant 0 : i32
      %dma_wait3A_173 = tpu.memref_slice %arg10[%add3A_171, %dma_wait3A_172] : memref<160x125xi32, #tpu.memory_space<vmem>> -> memref<1x125xi32, #tpu.memory_space<vmem>>
      %dma_wait3A_174 = tpu.memref_squeeze %dma_wait3A_173 : memref<1x125xi32, #tpu.memory_space<vmem>> -> memref<125xi32, #tpu.memory_space<vmem>>
      %dma_wait3A_175 = arith.constant 0 : i32
      %dma_wait3A_176 = arith.constant 0 : i32
      %dma_wait3A_177 = tpu.memref_slice %arg2[%arg0, %dma_wait3A_175, %dma_wait3A_176] : memref<2x10000x64xf32, #tpu.memory_space<hbm>> -> memref<1x10000x64xf32, #tpu.memory_space<hbm>>
      %dma_wait3A_178 = tpu.memref_squeeze %dma_wait3A_177 : memref<1x10000x64xf32, #tpu.memory_space<hbm>> -> memref<10000x64xf32, #tpu.memory_space<hbm>>
      %dma_wait3A_179 = arith.constant 0 : i32
      %dma_wait3A_180 = arith.constant 0 : i32
      %dma_wait3A_181 = tpu.memref_slice %dma_wait3A_178[%dma_wait3A_179, %dma_wait3A_180] : memref<10000x64xf32, #tpu.memory_space<hbm>> -> memref<10000x64xf32, #tpu.memory_space<hbm>>
      tpu.wait_indirect_dma semaphore(%arg18 : memref<!tpu.dma_semaphore, #tpu.memory_space<semaphore_mem>>) src(%dma_wait3A_181 : memref<10000x64xf32, #tpu.memory_space<hbm>>) dst(%arg13 : memref<125x64xf32, #tpu.memory_space<vmem>>)
      %dma_start3A_182 = arith.constant 0 : i32
      %dma_start3A_183 = tpu.memref_slice %arg11[%add3A_171, %dma_start3A_182] : memref<160x125xi32, #tpu.memory_space<vmem>> -> memref<1x125xi32, #tpu.memory_space<vmem>>
      %dma_start3A_184 = tpu.memref_squeeze %dma_start3A_183 : memref<1x125xi32, #tpu.memory_space<vmem>> -> memref<125xi32, #tpu.memory_space<vmem>>
      %dma_start3A_185 = arith.constant 0 : i32
      %dma_start3A_186 = arith.constant 0 : i32
      %dma_start3A_187 = tpu.memref_slice %arg16[%dma_start3A_185, %dma_start3A_186] : memref<10000x64xf32, #tpu.memory_space<vmem_shared>> -> memref<10000x64xf32, #tpu.memory_space<vmem_shared>>
      tpu.enqueue_indirect_dma source(%arg13 : memref<125x64xf32, #tpu.memory_space<vmem>>) target(%dma_start3A_187 : memref<10000x64xf32, #tpu.memory_space<vmem_shared>>) offsets(%dma_start3A_184 : memref<125xi32, #tpu.memory_space<vmem>>) semaphore(%arg22 : memref<!tpu.dma_semaphore, #tpu.memory_space<semaphore_mem>>) {add = true}
      %mul3A_188 = arith.constant 80 : i32
      %mul3A_189 = arith.muli %arg0, %mul3A_188 : i32
      %ge3A_190 = arith.cmpi sge, %add3A_171, %mul3A_189 : i32
      %add3A_191 = arith.constant 1 : i32
      %add3A_192 = arith.addi %arg0, %add3A_191 : i32
      %mul3A_193 = arith.constant 80 : i32
      %mul3A_194 = arith.muli %add3A_192, %mul3A_193 : i32
      %lt3A_195 = arith.cmpi slt, %add3A_171, %mul3A_194 : i32
      %and3A_196 = arith.andi %ge3A_190, %lt3A_195 : i1
      %convert_element_type3A_197 = arith.extui %and3A_196 : i1 to i32
      %cond3A_198 = arith.constant 0 : i32
      %cond3A_199 = arith.cmpi ne, %convert_element_type3A_197, %cond3A_198 : i32
      scf.if %cond3A_199 {
        %mul3A_285 = arith.constant 80 : i32
        %mul3A_286 = arith.muli %arg0, %mul3A_285 : i32
        %add3A_287 = arith.constant 2 : i32
        %add3A_288 = arith.addi %mul3A_286, %add3A_287 : i32
        %ge3A_289 = arith.cmpi sge, %add3A_171, %add3A_288 : i32
        %convert_element_type3A_290 = arith.extui %ge3A_289 : i1 to i32
        %cond3A_291 = arith.constant 0 : i32
        %cond3A_292 = arith.cmpi ne, %convert_element_type3A_290, %cond3A_291 : i32
        scf.if %cond3A_292 {
          %sub3A = arith.constant 2 : i32
          %sub3A_299 = arith.subi %add3A_171, %sub3A : i32
          %dma_wait3A_300 = arith.constant 0 : i32
          %dma_wait3A_301 = tpu.memref_slice %arg11[%sub3A_299, %dma_wait3A_300] : memref<160x125xi32, #tpu.memory_space<vmem>> -> memref<1x125xi32, #tpu.memory_space<vmem>>
          %dma_wait3A_302 = tpu.memref_squeeze %dma_wait3A_301 : memref<1x125xi32, #tpu.memory_space<vmem>> -> memref<125xi32, #tpu.memory_space<vmem>>
          %dma_wait3A_303 = arith.constant 0 : i32
          %dma_wait3A_304 = arith.constant 0 : i32
          %dma_wait3A_305 = tpu.memref_slice %arg26[%dma_wait3A_303, %dma_wait3A_304] : memref<10000x16xf32, #tpu.memory_space<vmem_shared>> -> memref<10000x16xf32, #tpu.memory_space<vmem_shared>>
          tpu.wait_indirect_dma semaphore(%arg28 : memref<!tpu.dma_semaphore, #tpu.memory_space<semaphore_mem>>) src(%arg25 : memref<125x16xf32, #tpu.memory_space<vmem>>) dst(%dma_wait3A_305 : memref<10000x16xf32, #tpu.memory_space<vmem_shared>>)
        } else {
        }
        %dma_start3A_293 = arith.constant 0 : i32
        %dma_start3A_294 = tpu.memref_slice %arg11[%add3A_171, %dma_start3A_293] : memref<160x125xi32, #tpu.memory_space<vmem>> -> memref<1x125xi32, #tpu.memory_space<vmem>>
        %dma_start3A_295 = tpu.memref_squeeze %dma_start3A_294 : memref<1x125xi32, #tpu.memory_space<vmem>> -> memref<125xi32, #tpu.memory_space<vmem>>
        %dma_start3A_296 = arith.constant 0 : i32
        %dma_start3A_297 = arith.constant 0 : i32
        %dma_start3A_298 = tpu.memref_slice %arg26[%dma_start3A_296, %dma_start3A_297] : memref<10000x16xf32, #tpu.memory_space<vmem_shared>> -> memref<10000x16xf32, #tpu.memory_space<vmem_shared>>
        tpu.enqueue_indirect_dma source(%arg25 : memref<125x16xf32, #tpu.memory_space<vmem>>) target(%dma_start3A_298 : memref<10000x16xf32, #tpu.memory_space<vmem_shared>>) offsets(%dma_start3A_295 : memref<125xi32, #tpu.memory_space<vmem>>) semaphore(%arg28 : memref<!tpu.dma_semaphore, #tpu.memory_space<semaphore_mem>>) {add = true}
      } else {
      }
      %add3A_200 = arith.constant 2 : i32
      %add3A_201 = arith.addi %add3A_171, %add3A_200 : i32
      %lt3A_202 = arith.constant 160 : i32
      %lt3A_203 = arith.cmpi slt, %add3A_201, %lt3A_202 : i32
      %convert_element_type3A_204 = arith.extui %lt3A_203 : i1 to i32
      %cond3A_205 = arith.constant 0 : i32
      %cond3A_206 = arith.cmpi ne, %convert_element_type3A_204, %cond3A_205 : i32
      scf.if %cond3A_206 {
        %ge3A_285 = arith.constant 2 : i32
        %ge3A_286 = arith.cmpi sge, %add3A_171, %ge3A_285 : i32
        %convert_element_type3A_287 = arith.extui %ge3A_286 : i1 to i32
        %cond3A_288 = arith.constant 0 : i32
        %cond3A_289 = arith.cmpi ne, %convert_element_type3A_287, %cond3A_288 : i32
        scf.if %cond3A_289 {
          %sub3A = arith.constant 2 : i32
          %sub3A_302 = arith.subi %add3A_171, %sub3A : i32
          %dma_wait3A_303 = arith.constant 0 : i32
          %dma_wait3A_304 = tpu.memref_slice %arg11[%sub3A_302, %dma_wait3A_303] : memref<160x125xi32, #tpu.memory_space<vmem>> -> memref<1x125xi32, #tpu.memory_space<vmem>>
          %dma_wait3A_305 = tpu.memref_squeeze %dma_wait3A_304 : memref<1x125xi32, #tpu.memory_space<vmem>> -> memref<125xi32, #tpu.memory_space<vmem>>
          %dma_wait3A_306 = arith.constant 0 : i32
          %dma_wait3A_307 = arith.constant 0 : i32
          %dma_wait3A_308 = tpu.memref_slice %arg16[%dma_wait3A_306, %dma_wait3A_307] : memref<10000x64xf32, #tpu.memory_space<vmem_shared>> -> memref<10000x64xf32, #tpu.memory_space<vmem_shared>>
          tpu.wait_indirect_dma semaphore(%arg24 : memref<!tpu.dma_semaphore, #tpu.memory_space<semaphore_mem>>) src(%arg15 : memref<125x64xf32, #tpu.memory_space<vmem>>) dst(%dma_wait3A_308 : memref<10000x64xf32, #tpu.memory_space<vmem_shared>>)
        } else {
        }
        %add3A_290 = arith.constant 2 : i32
        %add3A_291 = arith.addi %add3A_171, %add3A_290 : i32
        %dma_start3A_292 = arith.constant 0 : i32
        %dma_start3A_293 = tpu.memref_slice %arg10[%add3A_291, %dma_start3A_292] : memref<160x125xi32, #tpu.memory_space<vmem>> -> memref<1x125xi32, #tpu.memory_space<vmem>>
        %dma_start3A_294 = tpu.memref_squeeze %dma_start3A_293 : memref<1x125xi32, #tpu.memory_space<vmem>> -> memref<125xi32, #tpu.memory_space<vmem>>
        %dma_start3A_295 = arith.constant 0 : i32
        %dma_start3A_296 = arith.constant 0 : i32
        %dma_start3A_297 = tpu.memref_slice %arg2[%arg0, %dma_start3A_295, %dma_start3A_296] : memref<2x10000x64xf32, #tpu.memory_space<hbm>> -> memref<1x10000x64xf32, #tpu.memory_space<hbm>>
        %dma_start3A_298 = tpu.memref_squeeze %dma_start3A_297 : memref<1x10000x64xf32, #tpu.memory_space<hbm>> -> memref<10000x64xf32, #tpu.memory_space<hbm>>
        %dma_start3A_299 = arith.constant 0 : i32
        %dma_start3A_300 = arith.constant 0 : i32
        %dma_start3A_301 = tpu.memref_slice %dma_start3A_298[%dma_start3A_299, %dma_start3A_300] : memref<10000x64xf32, #tpu.memory_space<hbm>> -> memref<10000x64xf32, #tpu.memory_space<hbm>>
        tpu.enqueue_indirect_dma source(%dma_start3A_301 : memref<10000x64xf32, #tpu.memory_space<hbm>>) target(%arg15 : memref<125x64xf32, #tpu.memory_space<vmem>>) offsets(%dma_start3A_294 : memref<125xi32, #tpu.memory_space<vmem>>) semaphore(%arg20 : memref<!tpu.dma_semaphore, #tpu.memory_space<semaphore_mem>>)
      } else {
      }
      %mul3A_207 = arith.constant 4 : i32
      %mul3A_208 = arith.muli %mul3A_207, %scan3A_132 : i32
      %add3A_209 = arith.constant 2 : i32
      %add3A_210 = arith.addi %mul3A_208, %add3A_209 : i32
      %dma_wait3A_211 = arith.constant 0 : i32
      %dma_wait3A_212 = tpu.memref_slice %arg10[%add3A_210, %dma_wait3A_211] : memref<160x125xi32, #tpu.memory_space<vmem>> -> memref<1x125xi32, #tpu.memory_space<vmem>>
      %dma_wait3A_213 = tpu.memref_squeeze %dma_wait3A_212 : memref<1x125xi32, #tpu.memory_space<vmem>> -> memref<125xi32, #tpu.memory_space<vmem>>
      %dma_wait3A_214 = arith.constant 0 : i32
      %dma_wait3A_215 = arith.constant 0 : i32
      %dma_wait3A_216 = tpu.memref_slice %arg2[%arg0, %dma_wait3A_214, %dma_wait3A_215] : memref<2x10000x64xf32, #tpu.memory_space<hbm>> -> memref<1x10000x64xf32, #tpu.memory_space<hbm>>
      %dma_wait3A_217 = tpu.memref_squeeze %dma_wait3A_216 : memref<1x10000x64xf32, #tpu.memory_space<hbm>> -> memref<10000x64xf32, #tpu.memory_space<hbm>>
      %dma_wait3A_218 = arith.constant 0 : i32
      %dma_wait3A_219 = arith.constant 0 : i32
      %dma_wait3A_220 = tpu.memref_slice %dma_wait3A_217[%dma_wait3A_218, %dma_wait3A_219] : memref<10000x64xf32, #tpu.memory_space<hbm>> -> memref<10000x64xf32, #tpu.memory_space<hbm>>
      tpu.wait_indirect_dma semaphore(%arg19 : memref<!tpu.dma_semaphore, #tpu.memory_space<semaphore_mem>>) src(%dma_wait3A_220 : memref<10000x64xf32, #tpu.memory_space<hbm>>) dst(%arg14 : memref<125x64xf32, #tpu.memory_space<vmem>>)
      %dma_start3A_221 = arith.constant 0 : i32
      %dma_start3A_222 = tpu.memref_slice %arg11[%add3A_210, %dma_start3A_221] : memref<160x125xi32, #tpu.memory_space<vmem>> -> memref<1x125xi32, #tpu.memory_space<vmem>>
      %dma_start3A_223 = tpu.memref_squeeze %dma_start3A_222 : memref<1x125xi32, #tpu.memory_space<vmem>> -> memref<125xi32, #tpu.memory_space<vmem>>
      %dma_start3A_224 = arith.constant 0 : i32
      %dma_start3A_225 = arith.constant 0 : i32
      %dma_start3A_226 = tpu.memref_slice %arg16[%dma_start3A_224, %dma_start3A_225] : memref<10000x64xf32, #tpu.memory_space<vmem_shared>> -> memref<10000x64xf32, #tpu.memory_space<vmem_shared>>
      tpu.enqueue_indirect_dma source(%arg14 : memref<125x64xf32, #tpu.memory_space<vmem>>) target(%dma_start3A_226 : memref<10000x64xf32, #tpu.memory_space<vmem_shared>>) offsets(%dma_start3A_223 : memref<125xi32, #tpu.memory_space<vmem>>) semaphore(%arg23 : memref<!tpu.dma_semaphore, #tpu.memory_space<semaphore_mem>>) {add = true}
      %mul3A_227 = arith.constant 80 : i32
      %mul3A_228 = arith.muli %arg0, %mul3A_227 : i32
      %ge3A_229 = arith.cmpi sge, %add3A_210, %mul3A_228 : i32
      %add3A_230 = arith.constant 1 : i32
      %add3A_231 = arith.addi %arg0, %add3A_230 : i32
      %mul3A_232 = arith.constant 80 : i32
      %mul3A_233 = arith.muli %add3A_231, %mul3A_232 : i32
      %lt3A_234 = arith.cmpi slt, %add3A_210, %mul3A_233 : i32
      %and3A_235 = arith.andi %ge3A_229, %lt3A_234 : i1
      %convert_element_type3A_236 = arith.extui %and3A_235 : i1 to i32
      %cond3A_237 = arith.constant 0 : i32
      %cond3A_238 = arith.cmpi ne, %convert_element_type3A_236, %cond3A_237 : i32
      scf.if %cond3A_238 {
        %mul3A_285 = arith.constant 80 : i32
        %mul3A_286 = arith.muli %arg0, %mul3A_285 : i32
        %add3A_287 = arith.constant 2 : i32
        %add3A_288 = arith.addi %mul3A_286, %add3A_287 : i32
        %ge3A_289 = arith.cmpi sge, %add3A_210, %add3A_288 : i32
        %convert_element_type3A_290 = arith.extui %ge3A_289 : i1 to i32
        %cond3A_291 = arith.constant 0 : i32
        %cond3A_292 = arith.cmpi ne, %convert_element_type3A_290, %cond3A_291 : i32
        scf.if %cond3A_292 {
          %sub3A = arith.constant 2 : i32
          %sub3A_299 = arith.subi %add3A_210, %sub3A : i32
          %dma_wait3A_300 = arith.constant 0 : i32
          %dma_wait3A_301 = tpu.memref_slice %arg11[%sub3A_299, %dma_wait3A_300] : memref<160x125xi32, #tpu.memory_space<vmem>> -> memref<1x125xi32, #tpu.memory_space<vmem>>
          %dma_wait3A_302 = tpu.memref_squeeze %dma_wait3A_301 : memref<1x125xi32, #tpu.memory_space<vmem>> -> memref<125xi32, #tpu.memory_space<vmem>>
          %dma_wait3A_303 = arith.constant 0 : i32
          %dma_wait3A_304 = arith.constant 0 : i32
          %dma_wait3A_305 = tpu.memref_slice %arg26[%dma_wait3A_303, %dma_wait3A_304] : memref<10000x16xf32, #tpu.memory_space<vmem_shared>> -> memref<10000x16xf32, #tpu.memory_space<vmem_shared>>
          tpu.wait_indirect_dma semaphore(%arg27 : memref<!tpu.dma_semaphore, #tpu.memory_space<semaphore_mem>>) src(%arg25 : memref<125x16xf32, #tpu.memory_space<vmem>>) dst(%dma_wait3A_305 : memref<10000x16xf32, #tpu.memory_space<vmem_shared>>)
        } else {
        }
        %dma_start3A_293 = arith.constant 0 : i32
        %dma_start3A_294 = tpu.memref_slice %arg11[%add3A_210, %dma_start3A_293] : memref<160x125xi32, #tpu.memory_space<vmem>> -> memref<1x125xi32, #tpu.memory_space<vmem>>
        %dma_start3A_295 = tpu.memref_squeeze %dma_start3A_294 : memref<1x125xi32, #tpu.memory_space<vmem>> -> memref<125xi32, #tpu.memory_space<vmem>>
        %dma_start3A_296 = arith.constant 0 : i32
        %dma_start3A_297 = arith.constant 0 : i32
        %dma_start3A_298 = tpu.memref_slice %arg26[%dma_start3A_296, %dma_start3A_297] : memref<10000x16xf32, #tpu.memory_space<vmem_shared>> -> memref<10000x16xf32, #tpu.memory_space<vmem_shared>>
        tpu.enqueue_indirect_dma source(%arg25 : memref<125x16xf32, #tpu.memory_space<vmem>>) target(%dma_start3A_298 : memref<10000x16xf32, #tpu.memory_space<vmem_shared>>) offsets(%dma_start3A_295 : memref<125xi32, #tpu.memory_space<vmem>>) semaphore(%arg27 : memref<!tpu.dma_semaphore, #tpu.memory_space<semaphore_mem>>) {add = true}
      } else {
      }
      %add3A_239 = arith.constant 2 : i32
      %add3A_240 = arith.addi %add3A_210, %add3A_239 : i32
      %lt3A_241 = arith.constant 160 : i32
      %lt3A_242 = arith.cmpi slt, %add3A_240, %lt3A_241 : i32
      %convert_element_type3A_243 = arith.extui %lt3A_242 : i1 to i32
      %cond3A_244 = arith.constant 0 : i32
      %cond3A_245 = arith.cmpi ne, %convert_element_type3A_243, %cond3A_244 : i32
      scf.if %cond3A_245 {
        %ge3A_285 = arith.constant 2 : i32
        %ge3A_286 = arith.cmpi sge, %add3A_210, %ge3A_285 : i32
        %convert_element_type3A_287 = arith.extui %ge3A_286 : i1 to i32
        %cond3A_288 = arith.constant 0 : i32
        %cond3A_289 = arith.cmpi ne, %convert_element_type3A_287, %cond3A_288 : i32
        scf.if %cond3A_289 {
          %sub3A = arith.constant 2 : i32
          %sub3A_302 = arith.subi %add3A_210, %sub3A : i32
          %dma_wait3A_303 = arith.constant 0 : i32
          %dma_wait3A_304 = tpu.memref_slice %arg11[%sub3A_302, %dma_wait3A_303] : memref<160x125xi32, #tpu.memory_space<vmem>> -> memref<1x125xi32, #tpu.memory_space<vmem>>
          %dma_wait3A_305 = tpu.memref_squeeze %dma_wait3A_304 : memref<1x125xi32, #tpu.memory_space<vmem>> -> memref<125xi32, #tpu.memory_space<vmem>>
          %dma_wait3A_306 = arith.constant 0 : i32
          %dma_wait3A_307 = arith.constant 0 : i32
          %dma_wait3A_308 = tpu.memref_slice %arg16[%dma_wait3A_306, %dma_wait3A_307] : memref<10000x64xf32, #tpu.memory_space<vmem_shared>> -> memref<10000x64xf32, #tpu.memory_space<vmem_shared>>
          tpu.wait_indirect_dma semaphore(%arg21 : memref<!tpu.dma_semaphore, #tpu.memory_space<semaphore_mem>>) src(%arg12 : memref<125x64xf32, #tpu.memory_space<vmem>>) dst(%dma_wait3A_308 : memref<10000x64xf32, #tpu.memory_space<vmem_shared>>)
        } else {
        }
        %add3A_290 = arith.constant 2 : i32
        %add3A_291 = arith.addi %add3A_210, %add3A_290 : i32
        %dma_start3A_292 = arith.constant 0 : i32
        %dma_start3A_293 = tpu.memref_slice %arg10[%add3A_291, %dma_start3A_292] : memref<160x125xi32, #tpu.memory_space<vmem>> -> memref<1x125xi32, #tpu.memory_space<vmem>>
        %dma_start3A_294 = tpu.memref_squeeze %dma_start3A_293 : memref<1x125xi32, #tpu.memory_space<vmem>> -> memref<125xi32, #tpu.memory_space<vmem>>
        %dma_start3A_295 = arith.constant 0 : i32
        %dma_start3A_296 = arith.constant 0 : i32
        %dma_start3A_297 = tpu.memref_slice %arg2[%arg0, %dma_start3A_295, %dma_start3A_296] : memref<2x10000x64xf32, #tpu.memory_space<hbm>> -> memref<1x10000x64xf32, #tpu.memory_space<hbm>>
        %dma_start3A_298 = tpu.memref_squeeze %dma_start3A_297 : memref<1x10000x64xf32, #tpu.memory_space<hbm>> -> memref<10000x64xf32, #tpu.memory_space<hbm>>
        %dma_start3A_299 = arith.constant 0 : i32
        %dma_start3A_300 = arith.constant 0 : i32
        %dma_start3A_301 = tpu.memref_slice %dma_start3A_298[%dma_start3A_299, %dma_start3A_300] : memref<10000x64xf32, #tpu.memory_space<hbm>> -> memref<10000x64xf32, #tpu.memory_space<hbm>>
        tpu.enqueue_indirect_dma source(%dma_start3A_301 : memref<10000x64xf32, #tpu.memory_space<hbm>>) target(%arg12 : memref<125x64xf32, #tpu.memory_space<vmem>>) offsets(%dma_start3A_294 : memref<125xi32, #tpu.memory_space<vmem>>) semaphore(%arg17 : memref<!tpu.dma_semaphore, #tpu.memory_space<semaphore_mem>>)
      } else {
      }
      %mul3A_246 = arith.constant 4 : i32
      %mul3A_247 = arith.muli %mul3A_246, %scan3A_132 : i32
      %add3A_248 = arith.constant 3 : i32
      %add3A_249 = arith.addi %mul3A_247, %add3A_248 : i32
      %dma_wait3A_250 = arith.constant 0 : i32
      %dma_wait3A_251 = tpu.memref_slice %arg10[%add3A_249, %dma_wait3A_250] : memref<160x125xi32, #tpu.memory_space<vmem>> -> memref<1x125xi32, #tpu.memory_space<vmem>>
      %dma_wait3A_252 = tpu.memref_squeeze %dma_wait3A_251 : memref<1x125xi32, #tpu.memory_space<vmem>> -> memref<125xi32, #tpu.memory_space<vmem>>
      %dma_wait3A_253 = arith.constant 0 : i32
      %dma_wait3A_254 = arith.constant 0 : i32
      %dma_wait3A_255 = tpu.memref_slice %arg2[%arg0, %dma_wait3A_253, %dma_wait3A_254] : memref<2x10000x64xf32, #tpu.memory_space<hbm>> -> memref<1x10000x64xf32, #tpu.memory_space<hbm>>
      %dma_wait3A_256 = tpu.memref_squeeze %dma_wait3A_255 : memref<1x10000x64xf32, #tpu.memory_space<hbm>> -> memref<10000x64xf32, #tpu.memory_space<hbm>>
      %dma_wait3A_257 = arith.constant 0 : i32
      %dma_wait3A_258 = arith.constant 0 : i32
      %dma_wait3A_259 = tpu.memref_slice %dma_wait3A_256[%dma_wait3A_257, %dma_wait3A_258] : memref<10000x64xf32, #tpu.memory_space<hbm>> -> memref<10000x64xf32, #tpu.memory_space<hbm>>
      tpu.wait_indirect_dma semaphore(%arg20 : memref<!tpu.dma_semaphore, #tpu.memory_space<semaphore_mem>>) src(%dma_wait3A_259 : memref<10000x64xf32, #tpu.memory_space<hbm>>) dst(%arg15 : memref<125x64xf32, #tpu.memory_space<vmem>>)
      %dma_start3A_260 = arith.constant 0 : i32
      %dma_start3A_261 = tpu.memref_slice %arg11[%add3A_249, %dma_start3A_260] : memref<160x125xi32, #tpu.memory_space<vmem>> -> memref<1x125xi32, #tpu.memory_space<vmem>>
      %dma_start3A_262 = tpu.memref_squeeze %dma_start3A_261 : memref<1x125xi32, #tpu.memory_space<vmem>> -> memref<125xi32, #tpu.memory_space<vmem>>
      %dma_start3A_263 = arith.constant 0 : i32
      %dma_start3A_264 = arith.constant 0 : i32
      %dma_start3A_265 = tpu.memref_slice %arg16[%dma_start3A_263, %dma_start3A_264] : memref<10000x64xf32, #tpu.memory_space<vmem_shared>> -> memref<10000x64xf32, #tpu.memory_space<vmem_shared>>
      tpu.enqueue_indirect_dma source(%arg15 : memref<125x64xf32, #tpu.memory_space<vmem>>) target(%dma_start3A_265 : memref<10000x64xf32, #tpu.memory_space<vmem_shared>>) offsets(%dma_start3A_262 : memref<125xi32, #tpu.memory_space<vmem>>) semaphore(%arg24 : memref<!tpu.dma_semaphore, #tpu.memory_space<semaphore_mem>>) {add = true}
      %mul3A_266 = arith.constant 80 : i32
      %mul3A_267 = arith.muli %arg0, %mul3A_266 : i32
      %ge3A_268 = arith.cmpi sge, %add3A_249, %mul3A_267 : i32
      %add3A_269 = arith.constant 1 : i32
      %add3A_270 = arith.addi %arg0, %add3A_269 : i32
      %mul3A_271 = arith.constant 80 : i32
      %mul3A_272 = arith.muli %add3A_270, %mul3A_271 : i32
      %lt3A_273 = arith.cmpi slt, %add3A_249, %mul3A_272 : i32
      %and3A_274 = arith.andi %ge3A_268, %lt3A_273 : i1
      %convert_element_type3A_275 = arith.extui %and3A_274 : i1 to i32
      %cond3A_276 = arith.constant 0 : i32
      %cond3A_277 = arith.cmpi ne, %convert_element_type3A_275, %cond3A_276 : i32
      scf.if %cond3A_277 {
        %mul3A_285 = arith.constant 80 : i32
        %mul3A_286 = arith.muli %arg0, %mul3A_285 : i32
        %add3A_287 = arith.constant 2 : i32
        %add3A_288 = arith.addi %mul3A_286, %add3A_287 : i32
        %ge3A_289 = arith.cmpi sge, %add3A_249, %add3A_288 : i32
        %convert_element_type3A_290 = arith.extui %ge3A_289 : i1 to i32
        %cond3A_291 = arith.constant 0 : i32
        %cond3A_292 = arith.cmpi ne, %convert_element_type3A_290, %cond3A_291 : i32
        scf.if %cond3A_292 {
          %sub3A = arith.constant 2 : i32
          %sub3A_299 = arith.subi %add3A_249, %sub3A : i32
          %dma_wait3A_300 = arith.constant 0 : i32
          %dma_wait3A_301 = tpu.memref_slice %arg11[%sub3A_299, %dma_wait3A_300] : memref<160x125xi32, #tpu.memory_space<vmem>> -> memref<1x125xi32, #tpu.memory_space<vmem>>
          %dma_wait3A_302 = tpu.memref_squeeze %dma_wait3A_301 : memref<1x125xi32, #tpu.memory_space<vmem>> -> memref<125xi32, #tpu.memory_space<vmem>>
          %dma_wait3A_303 = arith.constant 0 : i32
          %dma_wait3A_304 = arith.constant 0 : i32
          %dma_wait3A_305 = tpu.memref_slice %arg26[%dma_wait3A_303, %dma_wait3A_304] : memref<10000x16xf32, #tpu.memory_space<vmem_shared>> -> memref<10000x16xf32, #tpu.memory_space<vmem_shared>>
          tpu.wait_indirect_dma semaphore(%arg28 : memref<!tpu.dma_semaphore, #tpu.memory_space<semaphore_mem>>) src(%arg25 : memref<125x16xf32, #tpu.memory_space<vmem>>) dst(%dma_wait3A_305 : memref<10000x16xf32, #tpu.memory_space<vmem_shared>>)
        } else {
        }
        %dma_start3A_293 = arith.constant 0 : i32
        %dma_start3A_294 = tpu.memref_slice %arg11[%add3A_249, %dma_start3A_293] : memref<160x125xi32, #tpu.memory_space<vmem>> -> memref<1x125xi32, #tpu.memory_space<vmem>>
        %dma_start3A_295 = tpu.memref_squeeze %dma_start3A_294 : memref<1x125xi32, #tpu.memory_space<vmem>> -> memref<125xi32, #tpu.memory_space<vmem>>
        %dma_start3A_296 = arith.constant 0 : i32
        %dma_start3A_297 = arith.constant 0 : i32
        %dma_start3A_298 = tpu.memref_slice %arg26[%dma_start3A_296, %dma_start3A_297] : memref<10000x16xf32, #tpu.memory_space<vmem_shared>> -> memref<10000x16xf32, #tpu.memory_space<vmem_shared>>
        tpu.enqueue_indirect_dma source(%arg25 : memref<125x16xf32, #tpu.memory_space<vmem>>) target(%dma_start3A_298 : memref<10000x16xf32, #tpu.memory_space<vmem_shared>>) offsets(%dma_start3A_295 : memref<125xi32, #tpu.memory_space<vmem>>) semaphore(%arg28 : memref<!tpu.dma_semaphore, #tpu.memory_space<semaphore_mem>>) {add = true}
      } else {
      }
      %add3A_278 = arith.constant 2 : i32
      %add3A_279 = arith.addi %add3A_249, %add3A_278 : i32
      %lt3A_280 = arith.constant 160 : i32
      %lt3A_281 = arith.cmpi slt, %add3A_279, %lt3A_280 : i32
      %convert_element_type3A_282 = arith.extui %lt3A_281 : i1 to i32
      %cond3A_283 = arith.constant 0 : i32
      %cond3A_284 = arith.cmpi ne, %convert_element_type3A_282, %cond3A_283 : i32
      scf.if %cond3A_284 {
        %ge3A_285 = arith.constant 2 : i32
        %ge3A_286 = arith.cmpi sge, %add3A_249, %ge3A_285 : i32
        %convert_element_type3A_287 = arith.extui %ge3A_286 : i1 to i32
        %cond3A_288 = arith.constant 0 : i32
        %cond3A_289 = arith.cmpi ne, %convert_element_type3A_287, %cond3A_288 : i32
        scf.if %cond3A_289 {
          %sub3A = arith.constant 2 : i32
          %sub3A_302 = arith.subi %add3A_249, %sub3A : i32
          %dma_wait3A_303 = arith.constant 0 : i32
          %dma_wait3A_304 = tpu.memref_slice %arg11[%sub3A_302, %dma_wait3A_303] : memref<160x125xi32, #tpu.memory_space<vmem>> -> memref<1x125xi32, #tpu.memory_space<vmem>>
          %dma_wait3A_305 = tpu.memref_squeeze %dma_wait3A_304 : memref<1x125xi32, #tpu.memory_space<vmem>> -> memref<125xi32, #tpu.memory_space<vmem>>
          %dma_wait3A_306 = arith.constant 0 : i32
          %dma_wait3A_307 = arith.constant 0 : i32
          %dma_wait3A_308 = tpu.memref_slice %arg16[%dma_wait3A_306, %dma_wait3A_307] : memref<10000x64xf32, #tpu.memory_space<vmem_shared>> -> memref<10000x64xf32, #tpu.memory_space<vmem_shared>>
          tpu.wait_indirect_dma semaphore(%arg22 : memref<!tpu.dma_semaphore, #tpu.memory_space<semaphore_mem>>) src(%arg13 : memref<125x64xf32, #tpu.memory_space<vmem>>) dst(%dma_wait3A_308 : memref<10000x64xf32, #tpu.memory_space<vmem_shared>>)
        } else {
        }
        %add3A_290 = arith.constant 2 : i32
        %add3A_291 = arith.addi %add3A_249, %add3A_290 : i32
        %dma_start3A_292 = arith.constant 0 : i32
        %dma_start3A_293 = tpu.memref_slice %arg10[%add3A_291, %dma_start3A_292] : memref<160x125xi32, #tpu.memory_space<vmem>> -> memref<1x125xi32, #tpu.memory_space<vmem>>
        %dma_start3A_294 = tpu.memref_squeeze %dma_start3A_293 : memref<1x125xi32, #tpu.memory_space<vmem>> -> memref<125xi32, #tpu.memory_space<vmem>>
        %dma_start3A_295 = arith.constant 0 : i32
        %dma_start3A_296 = arith.constant 0 : i32
        %dma_start3A_297 = tpu.memref_slice %arg2[%arg0, %dma_start3A_295, %dma_start3A_296] : memref<2x10000x64xf32, #tpu.memory_space<hbm>> -> memref<1x10000x64xf32, #tpu.memory_space<hbm>>
        %dma_start3A_298 = tpu.memref_squeeze %dma_start3A_297 : memref<1x10000x64xf32, #tpu.memory_space<hbm>> -> memref<10000x64xf32, #tpu.memory_space<hbm>>
        %dma_start3A_299 = arith.constant 0 : i32
        %dma_start3A_300 = arith.constant 0 : i32
        %dma_start3A_301 = tpu.memref_slice %dma_start3A_298[%dma_start3A_299, %dma_start3A_300] : memref<10000x64xf32, #tpu.memory_space<hbm>> -> memref<10000x64xf32, #tpu.memory_space<hbm>>
        tpu.enqueue_indirect_dma source(%dma_start3A_301 : memref<10000x64xf32, #tpu.memory_space<hbm>>) target(%arg13 : memref<125x64xf32, #tpu.memory_space<vmem>>) offsets(%dma_start3A_294 : memref<125xi32, #tpu.memory_space<vmem>>) semaphore(%arg18 : memref<!tpu.dma_semaphore, #tpu.memory_space<semaphore_mem>>)
      } else {
      }
    }
    %scan3A_81 = arith.constant 40 : i32
    %dma_wait3A_82 = arith.constant 156 : i32
    %dma_wait3A_83 = arith.constant 0 : i32
    %dma_wait3A_84 = tpu.memref_slice %arg11[%dma_wait3A_82, %dma_wait3A_83] : memref<160x125xi32, #tpu.memory_space<vmem>> -> memref<1x125xi32, #tpu.memory_space<vmem>>
    %dma_wait3A_85 = tpu.memref_squeeze %dma_wait3A_84 : memref<1x125xi32, #tpu.memory_space<vmem>> -> memref<125xi32, #tpu.memory_space<vmem>>
    %dma_wait3A_86 = arith.constant 0 : i32
    %dma_wait3A_87 = arith.constant 0 : i32
    %dma_wait3A_88 = tpu.memref_slice %arg16[%dma_wait3A_86, %dma_wait3A_87] : memref<10000x64xf32, #tpu.memory_space<vmem_shared>> -> memref<10000x64xf32, #tpu.memory_space<vmem_shared>>
    tpu.wait_indirect_dma semaphore(%arg21 : memref<!tpu.dma_semaphore, #tpu.memory_space<semaphore_mem>>) src(%arg12 : memref<125x64xf32, #tpu.memory_space<vmem>>) dst(%dma_wait3A_88 : memref<10000x64xf32, #tpu.memory_space<vmem_shared>>)
    %dma_wait3A_89 = arith.constant 157 : i32
    %dma_wait3A_90 = arith.constant 0 : i32
    %dma_wait3A_91 = tpu.memref_slice %arg11[%dma_wait3A_89, %dma_wait3A_90] : memref<160x125xi32, #tpu.memory_space<vmem>> -> memref<1x125xi32, #tpu.memory_space<vmem>>
    %dma_wait3A_92 = tpu.memref_squeeze %dma_wait3A_91 : memref<1x125xi32, #tpu.memory_space<vmem>> -> memref<125xi32, #tpu.memory_space<vmem>>
    %dma_wait3A_93 = arith.constant 0 : i32
    %dma_wait3A_94 = arith.constant 0 : i32
    %dma_wait3A_95 = tpu.memref_slice %arg16[%dma_wait3A_93, %dma_wait3A_94] : memref<10000x64xf32, #tpu.memory_space<vmem_shared>> -> memref<10000x64xf32, #tpu.memory_space<vmem_shared>>
    tpu.wait_indirect_dma semaphore(%arg22 : memref<!tpu.dma_semaphore, #tpu.memory_space<semaphore_mem>>) src(%arg13 : memref<125x64xf32, #tpu.memory_space<vmem>>) dst(%dma_wait3A_95 : memref<10000x64xf32, #tpu.memory_space<vmem_shared>>)
    %dma_wait3A_96 = arith.constant 158 : i32
    %dma_wait3A_97 = arith.constant 0 : i32
    %dma_wait3A_98 = tpu.memref_slice %arg11[%dma_wait3A_96, %dma_wait3A_97] : memref<160x125xi32, #tpu.memory_space<vmem>> -> memref<1x125xi32, #tpu.memory_space<vmem>>
    %dma_wait3A_99 = tpu.memref_squeeze %dma_wait3A_98 : memref<1x125xi32, #tpu.memory_space<vmem>> -> memref<125xi32, #tpu.memory_space<vmem>>
    %dma_wait3A_100 = arith.constant 0 : i32
    %dma_wait3A_101 = arith.constant 0 : i32
    %dma_wait3A_102 = tpu.memref_slice %arg16[%dma_wait3A_100, %dma_wait3A_101] : memref<10000x64xf32, #tpu.memory_space<vmem_shared>> -> memref<10000x64xf32, #tpu.memory_space<vmem_shared>>
    tpu.wait_indirect_dma semaphore(%arg23 : memref<!tpu.dma_semaphore, #tpu.memory_space<semaphore_mem>>) src(%arg14 : memref<125x64xf32, #tpu.memory_space<vmem>>) dst(%dma_wait3A_102 : memref<10000x64xf32, #tpu.memory_space<vmem_shared>>)
    %dma_wait3A_103 = arith.constant 159 : i32
    %dma_wait3A_104 = arith.constant 0 : i32
    %dma_wait3A_105 = tpu.memref_slice %arg11[%dma_wait3A_103, %dma_wait3A_104] : memref<160x125xi32, #tpu.memory_space<vmem>> -> memref<1x125xi32, #tpu.memory_space<vmem>>
    %dma_wait3A_106 = tpu.memref_squeeze %dma_wait3A_105 : memref<1x125xi32, #tpu.memory_space<vmem>> -> memref<125xi32, #tpu.memory_space<vmem>>
    %dma_wait3A_107 = arith.constant 0 : i32
    %dma_wait3A_108 = arith.constant 0 : i32
    %dma_wait3A_109 = tpu.memref_slice %arg16[%dma_wait3A_107, %dma_wait3A_108] : memref<10000x64xf32, #tpu.memory_space<vmem_shared>> -> memref<10000x64xf32, #tpu.memory_space<vmem_shared>>
    tpu.wait_indirect_dma semaphore(%arg24 : memref<!tpu.dma_semaphore, #tpu.memory_space<semaphore_mem>>) src(%arg15 : memref<125x64xf32, #tpu.memory_space<vmem>>) dst(%dma_wait3A_109 : memref<10000x64xf32, #tpu.memory_space<vmem_shared>>)
    %dma_wait3A_110 = arith.constant 0 : i32
    %dma_wait3A_111 = arith.constant 0 : i32
    %dma_wait3A_112 = tpu.memref_slice %arg11[%dma_wait3A_110, %dma_wait3A_111] : memref<160x125xi32, #tpu.memory_space<vmem>> -> memref<1x125xi32, #tpu.memory_space<vmem>>
    %dma_wait3A_113 = tpu.memref_squeeze %dma_wait3A_112 : memref<1x125xi32, #tpu.memory_space<vmem>> -> memref<125xi32, #tpu.memory_space<vmem>>
    %dma_wait3A_114 = arith.constant 0 : i32
    %dma_wait3A_115 = arith.constant 0 : i32
    %dma_wait3A_116 = tpu.memref_slice %arg26[%dma_wait3A_114, %dma_wait3A_115] : memref<10000x16xf32, #tpu.memory_space<vmem_shared>> -> memref<10000x16xf32, #tpu.memory_space<vmem_shared>>
    tpu.wait_indirect_dma semaphore(%arg27 : memref<!tpu.dma_semaphore, #tpu.memory_space<semaphore_mem>>) src(%arg25 : memref<125x16xf32, #tpu.memory_space<vmem>>) dst(%dma_wait3A_116 : memref<10000x16xf32, #tpu.memory_space<vmem_shared>>)
    %dma_wait3A_117 = arith.constant 1 : i32
    %dma_wait3A_118 = arith.constant 0 : i32
    %dma_wait3A_119 = tpu.memref_slice %arg11[%dma_wait3A_117, %dma_wait3A_118] : memref<160x125xi32, #tpu.memory_space<vmem>> -> memref<1x125xi32, #tpu.memory_space<vmem>>
    %dma_wait3A_120 = tpu.memref_squeeze %dma_wait3A_119 : memref<1x125xi32, #tpu.memory_space<vmem>> -> memref<125xi32, #tpu.memory_space<vmem>>
    %dma_wait3A_121 = arith.constant 0 : i32
    %dma_wait3A_122 = arith.constant 0 : i32
    %dma_wait3A_123 = tpu.memref_slice %arg26[%dma_wait3A_121, %dma_wait3A_122] : memref<10000x16xf32, #tpu.memory_space<vmem_shared>> -> memref<10000x16xf32, #tpu.memory_space<vmem_shared>>
    tpu.wait_indirect_dma semaphore(%arg28 : memref<!tpu.dma_semaphore, #tpu.memory_space<semaphore_mem>>) src(%arg25 : memref<125x16xf32, #tpu.memory_space<vmem>>) dst(%dma_wait3A_123 : memref<10000x16xf32, #tpu.memory_space<vmem_shared>>)
    %barrier3A_124 = arith.constant 0 : index
    tpu.barrier barrier_id(%barrier3A_124)
    %mul3A_125 = arith.constant 624 : i32
    %mul3A_126 = arith.muli %arg1, %mul3A_125 : i32
    "tpu.region"() ({
      %run_scoped3A = tpu.sem_alloc : memref<!tpu.dma_semaphore, #tpu.memory_space<semaphore_mem>>
      %dma_start3A_132 = arith.constant 0 : i32
      %dma_start3A_133 = tpu.memref_slice %arg8[%arg0, %mul3A_126, %dma_start3A_132] : memref<2x10000x64xf32, #tpu.memory_space<hbm>> -> memref<1x624x64xf32, #tpu.memory_space<hbm>>
      %dma_start3A_134 = tpu.memref_squeeze %dma_start3A_133 : memref<1x624x64xf32, #tpu.memory_space<hbm>> -> memref<624x64xf32, #tpu.memory_space<hbm>>
      %dma_start3A_135 = arith.constant 0 : i32
      %dma_start3A_136 = tpu.memref_slice %arg16[%mul3A_126, %dma_start3A_135] : memref<10000x64xf32, #tpu.memory_space<vmem_shared>> -> memref<624x64xf32, #tpu.memory_space<vmem_shared>>
      tpu.enqueue_dma source(%dma_start3A_136 : memref<624x64xf32, #tpu.memory_space<vmem_shared>>) target(%dma_start3A_134 : memref<624x64xf32, #tpu.memory_space<hbm>>) target_semaphore(%run_scoped3A : memref<!tpu.dma_semaphore, #tpu.memory_space<semaphore_mem>>)
      %dma_wait3A_137 = arith.constant 0 : i32
      %dma_wait3A_138 = tpu.memref_slice %arg8[%arg0, %mul3A_126, %dma_wait3A_137] : memref<2x10000x64xf32, #tpu.memory_space<hbm>> -> memref<1x624x64xf32, #tpu.memory_space<hbm>>
      %dma_wait3A_139 = tpu.memref_squeeze %dma_wait3A_138 : memref<1x624x64xf32, #tpu.memory_space<hbm>> -> memref<624x64xf32, #tpu.memory_space<hbm>>
      %dma_wait3A_140 = arith.constant 0 : i32
      %dma_wait3A_141 = tpu.memref_slice %arg16[%mul3A_126, %dma_wait3A_140] : memref<10000x64xf32, #tpu.memory_space<vmem_shared>> -> memref<624x64xf32, #tpu.memory_space<vmem_shared>>
      tpu.wait_dma2 semaphore(%run_scoped3A : memref<!tpu.dma_semaphore, #tpu.memory_space<semaphore_mem>>) src(%dma_wait3A_141 : memref<624x64xf32, #tpu.memory_space<vmem_shared>>) dst(%dma_wait3A_139 : memref<624x64xf32, #tpu.memory_space<hbm>>)
      tpu.yield
    }) : () -> ()
    "tpu.region"() ({
      %run_scoped3A = tpu.sem_alloc : memref<!tpu.dma_semaphore, #tpu.memory_space<semaphore_mem>>
      %dma_start3A_132 = arith.constant 0 : i32
      %dma_start3A_133 = tpu.memref_slice %arg9[%arg0, %mul3A_126, %dma_start3A_132] : memref<2x10000x16xf32, #tpu.memory_space<hbm>> -> memref<1x624x16xf32, #tpu.memory_space<hbm>>
      %dma_start3A_134 = tpu.memref_squeeze %dma_start3A_133 : memref<1x624x16xf32, #tpu.memory_space<hbm>> -> memref<624x16xf32, #tpu.memory_space<hbm>>
      %dma_start3A_135 = arith.constant 0 : i32
      %dma_start3A_136 = tpu.memref_slice %arg26[%mul3A_126, %dma_start3A_135] : memref<10000x16xf32, #tpu.memory_space<vmem_shared>> -> memref<624x16xf32, #tpu.memory_space<vmem_shared>>
      tpu.enqueue_dma source(%dma_start3A_136 : memref<624x16xf32, #tpu.memory_space<vmem_shared>>) target(%dma_start3A_134 : memref<624x16xf32, #tpu.memory_space<hbm>>) target_semaphore(%run_scoped3A : memref<!tpu.dma_semaphore, #tpu.memory_space<semaphore_mem>>)
      %dma_wait3A_137 = arith.constant 0 : i32
      %dma_wait3A_138 = tpu.memref_slice %arg9[%arg0, %mul3A_126, %dma_wait3A_137] : memref<2x10000x16xf32, #tpu.memory_space<hbm>> -> memref<1x624x16xf32, #tpu.memory_space<hbm>>
      %dma_wait3A_139 = tpu.memref_squeeze %dma_wait3A_138 : memref<1x624x16xf32, #tpu.memory_space<hbm>> -> memref<624x16xf32, #tpu.memory_space<hbm>>
      %dma_wait3A_140 = arith.constant 0 : i32
      %dma_wait3A_141 = tpu.memref_slice %arg26[%mul3A_126, %dma_wait3A_140] : memref<10000x16xf32, #tpu.memory_space<vmem_shared>> -> memref<624x16xf32, #tpu.memory_space<vmem_shared>>
      tpu.wait_dma2 semaphore(%run_scoped3A : memref<!tpu.dma_semaphore, #tpu.memory_space<semaphore_mem>>) src(%dma_wait3A_141 : memref<624x16xf32, #tpu.memory_space<vmem_shared>>) dst(%dma_wait3A_139 : memref<624x16xf32, #tpu.memory_space<hbm>>)
      tpu.yield
    }) : () -> ()
    %eq3A_127 = arith.constant 15 : i32
    %eq3A_128 = arith.cmpi eq, %arg1, %eq3A_127 : i32
    %convert_element_type3A_129 = arith.extui %eq3A_128 : i1 to i32
    %cond3A_130 = arith.constant 0 : i32
    %cond3A_131 = arith.cmpi ne, %convert_element_type3A_129, %cond3A_130 : i32
    scf.if %cond3A_131 {
      "tpu.region"() ({
        %run_scoped3A = tpu.sem_alloc : memref<!tpu.dma_semaphore, #tpu.memory_space<semaphore_mem>>
        %dma_start3A_132 = arith.constant 9984 : i32
        %dma_start3A_133 = arith.constant 0 : i32
        %dma_start3A_134 = tpu.memref_slice %arg8[%arg0, %dma_start3A_132, %dma_start3A_133] : memref<2x10000x64xf32, #tpu.memory_space<hbm>> -> memref<1x16x64xf32, #tpu.memory_space<hbm>>
        %dma_start3A_135 = tpu.memref_squeeze %dma_start3A_134 : memref<1x16x64xf32, #tpu.memory_space<hbm>> -> memref<16x64xf32, #tpu.memory_space<hbm>>
        %dma_start3A_136 = arith.constant 9984 : i32
        %dma_start3A_137 = arith.constant 0 : i32
        %dma_start3A_138 = tpu.memref_slice %arg16[%dma_start3A_136, %dma_start3A_137] : memref<10000x64xf32, #tpu.memory_space<vmem_shared>> -> memref<16x64xf32, #tpu.memory_space<vmem_shared>>
        tpu.enqueue_dma source(%dma_start3A_138 : memref<16x64xf32, #tpu.memory_space<vmem_shared>>) target(%dma_start3A_135 : memref<16x64xf32, #tpu.memory_space<hbm>>) target_semaphore(%run_scoped3A : memref<!tpu.dma_semaphore, #tpu.memory_space<semaphore_mem>>)
        %dma_wait3A_139 = arith.constant 9984 : i32
        %dma_wait3A_140 = arith.constant 0 : i32
        %dma_wait3A_141 = tpu.memref_slice %arg8[%arg0, %dma_wait3A_139, %dma_wait3A_140] : memref<2x10000x64xf32, #tpu.memory_space<hbm>> -> memref<1x16x64xf32, #tpu.memory_space<hbm>>
        %dma_wait3A_142 = tpu.memref_squeeze %dma_wait3A_141 : memref<1x16x64xf32, #tpu.memory_space<hbm>> -> memref<16x64xf32, #tpu.memory_space<hbm>>
        %dma_wait3A_143 = arith.constant 9984 : i32
        %dma_wait3A_144 = arith.constant 0 : i32
        %dma_wait3A_145 = tpu.memref_slice %arg16[%dma_wait3A_143, %dma_wait3A_144] : memref<10000x64xf32, #tpu.memory_space<vmem_shared>> -> memref<16x64xf32, #tpu.memory_space<vmem_shared>>
        tpu.wait_dma2 semaphore(%run_scoped3A : memref<!tpu.dma_semaphore, #tpu.memory_space<semaphore_mem>>) src(%dma_wait3A_145 : memref<16x64xf32, #tpu.memory_space<vmem_shared>>) dst(%dma_wait3A_142 : memref<16x64xf32, #tpu.memory_space<hbm>>)
        tpu.yield
      }) : () -> ()
      "tpu.region"() ({
        %run_scoped3A = tpu.sem_alloc : memref<!tpu.dma_semaphore, #tpu.memory_space<semaphore_mem>>
        %dma_start3A_132 = arith.constant 9984 : i32
        %dma_start3A_133 = arith.constant 0 : i32
        %dma_start3A_134 = tpu.memref_slice %arg9[%arg0, %dma_start3A_132, %dma_start3A_133] : memref<2x10000x16xf32, #tpu.memory_space<hbm>> -> memref<1x16x16xf32, #tpu.memory_space<hbm>>
        %dma_start3A_135 = tpu.memref_squeeze %dma_start3A_134 : memref<1x16x16xf32, #tpu.memory_space<hbm>> -> memref<16x16xf32, #tpu.memory_space<hbm>>
        %dma_start3A_136 = arith.constant 9984 : i32
        %dma_start3A_137 = arith.constant 0 : i32
        %dma_start3A_138 = tpu.memref_slice %arg26[%dma_start3A_136, %dma_start3A_137] : memref<10000x16xf32, #tpu.memory_space<vmem_shared>> -> memref<16x16xf32, #tpu.memory_space<vmem_shared>>
        tpu.enqueue_dma source(%dma_start3A_138 : memref<16x16xf32, #tpu.memory_space<vmem_shared>>) target(%dma_start3A_135 : memref<16x16xf32, #tpu.memory_space<hbm>>) target_semaphore(%run_scoped3A : memref<!tpu.dma_semaphore, #tpu.memory_space<semaphore_mem>>)
        %dma_wait3A_139 = arith.constant 9984 : i32
        %dma_wait3A_140 = arith.constant 0 : i32
        %dma_wait3A_141 = tpu.memref_slice %arg9[%arg0, %dma_wait3A_139, %dma_wait3A_140] : memref<2x10000x16xf32, #tpu.memory_space<hbm>> -> memref<1x16x16xf32, #tpu.memory_space<hbm>>
        %dma_wait3A_142 = tpu.memref_squeeze %dma_wait3A_141 : memref<1x16x16xf32, #tpu.memory_space<hbm>> -> memref<16x16xf32, #tpu.memory_space<hbm>>
        %dma_wait3A_143 = arith.constant 9984 : i32
        %dma_wait3A_144 = arith.constant 0 : i32
        %dma_wait3A_145 = tpu.memref_slice %arg26[%dma_wait3A_143, %dma_wait3A_144] : memref<10000x16xf32, #tpu.memory_space<vmem_shared>> -> memref<16x16xf32, #tpu.memory_space<vmem_shared>>
        tpu.wait_dma2 semaphore(%run_scoped3A : memref<!tpu.dma_semaphore, #tpu.memory_space<semaphore_mem>>) src(%dma_wait3A_145 : memref<16x16xf32, #tpu.memory_space<vmem_shared>>) dst(%dma_wait3A_142 : memref<16x16xf32, #tpu.memory_space<hbm>>)
        tpu.yield
      }) : () -> ()
    } else {
    }
    return
  }
}

module attributes {stable_mosaic.version = 14 : i64} {
  func.func @_mid_body(%arg0: i32, %arg1: memref<2000x128xf32, #tpu.memory_space<vmem>>, %arg2: memref<2x2000x64xf32, #tpu.memory_space<vmem>>, %arg3: memref<2x2000x16xf32, #tpu.memory_space<vmem>>, %arg4: memref<128x128xf32, #tpu.memory_space<vmem>>, %arg5: memref<1x128xf32, #tpu.memory_space<vmem>>, %arg6: memref<128x128xf32, #tpu.memory_space<vmem>>, %arg7: memref<128x128xf32, #tpu.memory_space<vmem>>, %arg8: memref<128x128xf32, #tpu.memory_space<vmem>>, %arg9: memref<128x64xf32, #tpu.memory_space<vmem>>, %arg10: memref<1x128xf32, #tpu.memory_space<vmem>>, %arg11: memref<1x64xf32, #tpu.memory_space<vmem>>, %arg12: memref<2000x64xf32, #tpu.memory_space<vmem>>, %arg13: memref<2000x64xf32, #tpu.memory_space<vmem>>, %arg14: memref<2000x16xf32, #tpu.memory_space<vmem>>) attributes {dimension_semantics = [#tpu.dimension_semantics<arbitrary>], iteration_bounds = array<i64: 5>, scalar_prefetch = 0 : i64, scratch_operands = 0 : i64, tpu.core_type = #tpu.core_type<tc>, window_params = [{transform_indices = @transform_0, window_bounds = array<i64: 2000, 128>}, {transform_indices = @transform_1, window_bounds = array<i64: 2, 2000, 64>}, {transform_indices = @transform_2, window_bounds = array<i64: 2, 2000, 16>}, {pipeline_mode = #tpu.pipeline_mode<synchronous>, transform_indices = @transform_3, window_bounds = array<i64: 128, 128>}, {pipeline_mode = #tpu.pipeline_mode<synchronous>, transform_indices = @transform_4, window_bounds = array<i64: 1, 128>}, {pipeline_mode = #tpu.pipeline_mode<synchronous>, transform_indices = @transform_5, window_bounds = array<i64: 128, 128>}, {pipeline_mode = #tpu.pipeline_mode<synchronous>, transform_indices = @transform_6, window_bounds = array<i64: 128, 128>}, {pipeline_mode = #tpu.pipeline_mode<synchronous>, transform_indices = @transform_7, window_bounds = array<i64: 128, 128>}, {pipeline_mode = #tpu.pipeline_mode<synchronous>, transform_indices = @transform_8, window_bounds = array<i64: 128, 64>}, {pipeline_mode = #tpu.pipeline_mode<synchronous>, transform_indices = @transform_9, window_bounds = array<i64: 1, 128>}, {pipeline_mode = #tpu.pipeline_mode<synchronous>, transform_indices = @transform_10, window_bounds = array<i64: 1, 64>}, {transform_indices = @transform_11, window_bounds = array<i64: 2000, 64>}, {transform_indices = @transform_12, window_bounds = array<i64: 2000, 64>}, {transform_indices = @transform_13, window_bounds = array<i64: 2000, 16>}]} {
    %get3A = arith.constant 0 : index
    %get3A_0 = arith.constant 0 : index
    %get3A_1 = arith.constant 0 : index
    %get3A_2 = vector.load %arg3[%get3A, %get3A_0, %get3A_1] : memref<2x2000x16xf32, #tpu.memory_space<vmem>>, vector<1x2000x16xf32>
    %get3A_3 = vector.shape_cast %get3A_2 : vector<1x2000x16xf32> to vector<2000x16xf32>
    %get3A_4 = arith.constant 1 : index
    %get3A_5 = arith.constant 0 : index
    %get3A_6 = arith.constant 0 : index
    %get3A_7 = vector.load %arg3[%get3A_4, %get3A_5, %get3A_6] : memref<2x2000x16xf32, #tpu.memory_space<vmem>>, vector<1x2000x16xf32>
    %get3A_8 = vector.shape_cast %get3A_7 : vector<1x2000x16xf32> to vector<2000x16xf32>
    %add3A = arith.addf %get3A_3, %get3A_8 : vector<2000x16xf32>
    %max3A = arith.constant 1.000000e+00 : f32
    %max3A_9 = vector.broadcast %max3A : f32 to vector<2000x16xf32>
    %max3A_10 = arith.maximumf %add3A, %max3A_9 : vector<2000x16xf32>
    %div3A = arith.constant 1.000000e+00 : f32
    %div3A_11 = vector.broadcast %div3A : f32 to vector<2000x16xf32>
    %div3A_12 = arith.divf %div3A_11, %max3A_10 : vector<2000x16xf32>
    %swap3A = arith.constant 0 : index
    %swap3A_13 = arith.constant 0 : index
    %swap3A_14 = vector.load %arg14[%swap3A, %swap3A_13] : memref<2000x16xf32, #tpu.memory_space<vmem>>, vector<2000x16xf32>
    tpu.vector_store %arg14[%swap3A, %swap3A_13], %div3A_12 {strides = array<i32>} : memref<2000x16xf32, #tpu.memory_space<vmem>>, vector<2000x16xf32>,
    %get3A_15 = arith.constant 0 : index
    %get3A_16 = arith.constant 0 : index
    %get3A_17 = vector.load %arg14[%get3A_15, %get3A_16] : memref<2000x16xf32, #tpu.memory_space<vmem>>, vector<2000x1xf32>
    %get3A_18 = arith.constant 0 : index
    %get3A_19 = arith.constant 0 : index
    %get3A_20 = arith.constant 0 : index
    %get3A_21 = vector.load %arg2[%get3A_18, %get3A_19, %get3A_20] : memref<2x2000x64xf32, #tpu.memory_space<vmem>>, vector<1x2000x64xf32>
    %get3A_22 = vector.shape_cast %get3A_21 : vector<1x2000x64xf32> to vector<2000x64xf32>
    %get3A_23 = arith.constant 1 : index
    %get3A_24 = arith.constant 0 : index
    %get3A_25 = arith.constant 0 : index
    %get3A_26 = vector.load %arg2[%get3A_23, %get3A_24, %get3A_25] : memref<2x2000x64xf32, #tpu.memory_space<vmem>>, vector<1x2000x64xf32>
    %get3A_27 = vector.shape_cast %get3A_26 : vector<1x2000x64xf32> to vector<2000x64xf32>
    %concatenate3A = tpu.concatenate %get3A_22, %get3A_27 in 1 : vector<2000x64xf32>, vector<2000x64xf32> -> vector<2000x128xf32>
    %mul3A = vector.broadcast %get3A_17 : vector<2000x1xf32> to vector<2000x128xf32>
    %mul3A_28 = arith.mulf %concatenate3A, %mul3A : vector<2000x128xf32>
    %get3A_29 = arith.constant 0 : index
    %get3A_30 = arith.constant 0 : index
    %get3A_31 = vector.load %arg1[%get3A_29, %get3A_30] : memref<2000x128xf32, #tpu.memory_space<vmem>>, vector<2000x128xf32>
    %get3A_32 = arith.constant 0 : index
    %get3A_33 = arith.constant 0 : index
    %get3A_34 = vector.load %arg4[%get3A_32, %get3A_33] : memref<128x128xf32, #tpu.memory_space<vmem>>, vector<128x128xf32>
    %dot_general3A = arith.constant dense<0.000000e+00> : vector<2000x128xf32>
    %dot_general3A_35 = tpu.matmul %get3A_31, %get3A_34, %dot_general3A {dimension_numbers = #tpu.dot_dimension_numbers<[1], [0], [0], [1], [0, 0, 1, 1], [], []>, transpose_lhs_hint = false} : vector<2000x128xf32>, vector<128x128xf32>, vector<2000x128xf32> -> vector<2000x128xf32>
    %get3A_36 = arith.constant 0 : index
    %get3A_37 = arith.constant 0 : index
    %get3A_38 = vector.load %arg6[%get3A_36, %get3A_37] : memref<128x128xf32, #tpu.memory_space<vmem>>, vector<128x128xf32>
    %dot_general3A_39 = arith.constant dense<0.000000e+00> : vector<2000x128xf32>
    %dot_general3A_40 = tpu.matmul %mul3A_28, %get3A_38, %dot_general3A_39 {dimension_numbers = #tpu.dot_dimension_numbers<[1], [0], [0], [1], [0, 0, 1, 1], [], []>, transpose_lhs_hint = false} : vector<2000x128xf32>, vector<128x128xf32>, vector<2000x128xf32> -> vector<2000x128xf32>
    %add3A_41 = arith.addf %dot_general3A_35, %dot_general3A_40 : vector<2000x128xf32>
    %get3A_42 = arith.constant 0 : index
    %get3A_43 = arith.constant 0 : index
    %get3A_44 = vector.load %arg5[%get3A_42, %get3A_43] : memref<1x128xf32, #tpu.memory_space<vmem>>, vector<1x128xf32>
    %add3A_45 = vector.broadcast %get3A_44 : vector<1x128xf32> to vector<2000x128xf32>
    %add3A_46 = arith.addf %add3A_41, %add3A_45 : vector<2000x128xf32>
    %max3A_47 = arith.constant 0.000000e+00 : f32
    %max3A_48 = vector.broadcast %max3A_47 : f32 to vector<2000x128xf32>
    %max3A_49 = arith.maximumf %add3A_46, %max3A_48 : vector<2000x128xf32>
    %get3A_50 = arith.constant 0 : index
    %get3A_51 = arith.constant 0 : index
    %get3A_52 = vector.load %arg7[%get3A_50, %get3A_51] : memref<128x128xf32, #tpu.memory_space<vmem>>, vector<128x128xf32>
    %dot_general3A_53 = arith.constant dense<0.000000e+00> : vector<2000x128xf32>
    %dot_general3A_54 = tpu.matmul %max3A_49, %get3A_52, %dot_general3A_53 {dimension_numbers = #tpu.dot_dimension_numbers<[1], [0], [0], [1], [0, 0, 1, 1], [], []>, transpose_lhs_hint = false} : vector<2000x128xf32>, vector<128x128xf32>, vector<2000x128xf32> -> vector<2000x128xf32>
    %get3A_55 = arith.constant 0 : index
    %get3A_56 = arith.constant 0 : index
    %get3A_57 = vector.load %arg9[%get3A_55, %get3A_56] : memref<128x64xf32, #tpu.memory_space<vmem>>, vector<128x64xf32>
    %dot_general3A_58 = arith.constant dense<0.000000e+00> : vector<2000x64xf32>
    %dot_general3A_59 = tpu.matmul %dot_general3A_54, %get3A_57, %dot_general3A_58 {dimension_numbers = #tpu.dot_dimension_numbers<[1], [0], [0], [1], [0, 0, 1, 1], [], []>, transpose_lhs_hint = false} : vector<2000x128xf32>, vector<128x64xf32>, vector<2000x64xf32> -> vector<2000x64xf32>
    %get3A_60 = arith.constant 0 : index
    %get3A_61 = arith.constant 0 : index
    %get3A_62 = vector.load %arg8[%get3A_60, %get3A_61] : memref<128x128xf32, #tpu.memory_space<vmem>>, vector<128x128xf32>
    %dot_general3A_63 = arith.constant dense<0.000000e+00> : vector<2000x128xf32>
    %dot_general3A_64 = tpu.matmul %max3A_49, %get3A_62, %dot_general3A_63 {dimension_numbers = #tpu.dot_dimension_numbers<[1], [0], [0], [1], [0, 0, 1, 1], [], []>, transpose_lhs_hint = false} : vector<2000x128xf32>, vector<128x128xf32>, vector<2000x128xf32> -> vector<2000x128xf32>
    %get3A_65 = arith.constant 0 : index
    %get3A_66 = arith.constant 0 : index
    %get3A_67 = vector.load %arg9[%get3A_65, %get3A_66] : memref<128x64xf32, #tpu.memory_space<vmem>>, vector<128x64xf32>
    %dot_general3A_68 = arith.constant dense<0.000000e+00> : vector<2000x64xf32>
    %dot_general3A_69 = tpu.matmul %dot_general3A_64, %get3A_67, %dot_general3A_68 {dimension_numbers = #tpu.dot_dimension_numbers<[1], [0], [0], [1], [0, 0, 1, 1], [], []>, transpose_lhs_hint = false} : vector<2000x128xf32>, vector<128x64xf32>, vector<2000x64xf32> -> vector<2000x64xf32>
    %get3A_70 = arith.constant 0 : index
    %get3A_71 = arith.constant 0 : index
    %get3A_72 = vector.load %arg10[%get3A_70, %get3A_71] : memref<1x128xf32, #tpu.memory_space<vmem>>, vector<1x128xf32>
    %get3A_73 = arith.constant 0 : index
    %get3A_74 = arith.constant 0 : index
    %get3A_75 = vector.load %arg9[%get3A_73, %get3A_74] : memref<128x64xf32, #tpu.memory_space<vmem>>, vector<128x64xf32>
    %dot_general3A_76 = arith.constant dense<0.000000e+00> : vector<1x64xf32>
    %dot_general3A_77 = tpu.matmul %get3A_72, %get3A_75, %dot_general3A_76 {dimension_numbers = #tpu.dot_dimension_numbers<[1], [0], [0], [1], [0, 0, 1, 1], [], []>, transpose_lhs_hint = false} : vector<1x128xf32>, vector<128x64xf32>, vector<1x64xf32> -> vector<1x64xf32>
    %add3A_78 = vector.broadcast %dot_general3A_77 : vector<1x64xf32> to vector<2000x64xf32>
    %add3A_79 = arith.addf %dot_general3A_69, %add3A_78 : vector<2000x64xf32>
    %get3A_80 = arith.constant 0 : index
    %get3A_81 = arith.constant 0 : index
    %get3A_82 = vector.load %arg11[%get3A_80, %get3A_81] : memref<1x64xf32, #tpu.memory_space<vmem>>, vector<1x64xf32>
    %add3A_83 = vector.broadcast %get3A_82 : vector<1x64xf32> to vector<2000x64xf32>
    %add3A_84 = arith.addf %add3A_79, %add3A_83 : vector<2000x64xf32>
    %swap3A_85 = arith.constant 0 : index
    %swap3A_86 = arith.constant 0 : index
    %swap3A_87 = vector.load %arg12[%swap3A_85, %swap3A_86] : memref<2000x64xf32, #tpu.memory_space<vmem>>, vector<2000x64xf32>
    tpu.vector_store %arg12[%swap3A_85, %swap3A_86], %dot_general3A_59 {strides = array<i32>} : memref<2000x64xf32, #tpu.memory_space<vmem>>, vector<2000x64xf32>,
    %swap3A_88 = arith.constant 0 : index
    %swap3A_89 = arith.constant 0 : index
    %swap3A_90 = vector.load %arg13[%swap3A_88, %swap3A_89] : memref<2000x64xf32, #tpu.memory_space<vmem>>, vector<2000x64xf32>
    tpu.vector_store %arg13[%swap3A_88, %swap3A_89], %add3A_84 {strides = array<i32>} : memref<2000x64xf32, #tpu.memory_space<vmem>>, vector<2000x64xf32>,
    return
  }
  func.func @transform_0(%arg0: i32) -> (i32, i32) {
    %c0_i32 = arith.constant 0 : i32
    %c0_i32_0 = arith.constant 0 : i32
    return %arg0, %c0_i32 : i32, i32
  }
  func.func @transform_1(%arg0: i32) -> (i32, i32, i32) {
    %c0_i32 = arith.constant 0 : i32
    %c0_i32_0 = arith.constant 0 : i32
    %c0_i32_1 = arith.constant 0 : i32
    return %c0_i32, %arg0, %c0_i32_0 : i32, i32, i32
  }
  func.func @transform_2(%arg0: i32) -> (i32, i32, i32) {
    %c0_i32 = arith.constant 0 : i32
    %c0_i32_0 = arith.constant 0 : i32
    %c0_i32_1 = arith.constant 0 : i32
    return %c0_i32, %arg0, %c0_i32_0 : i32, i32, i32
  }
  func.func @transform_3(%arg0: i32) -> (i32, i32) {
    %c0_i32 = arith.constant 0 : i32
    %c0_i32_0 = arith.constant 0 : i32
    %c0_i32_1 = arith.constant 0 : i32
    return %c0_i32, %c0_i32_0 : i32, i32
  }
  func.func @transform_4(%arg0: i32) -> (i32, i32) {
    %c0_i32 = arith.constant 0 : i32
    %c0_i32_0 = arith.constant 0 : i32
    %c0_i32_1 = arith.constant 0 : i32
    return %c0_i32, %c0_i32_0 : i32, i32
  }
  func.func @transform_5(%arg0: i32) -> (i32, i32) {
    %c0_i32 = arith.constant 0 : i32
    %c0_i32_0 = arith.constant 0 : i32
    %c0_i32_1 = arith.constant 0 : i32
    return %c0_i32, %c0_i32_0 : i32, i32
  }
  func.func @transform_6(%arg0: i32) -> (i32, i32) {
    %c0_i32 = arith.constant 0 : i32
    %c0_i32_0 = arith.constant 0 : i32
    %c0_i32_1 = arith.constant 0 : i32
    return %c0_i32, %c0_i32_0 : i32, i32
  }
  func.func @transform_7(%arg0: i32) -> (i32, i32) {
    %c0_i32 = arith.constant 0 : i32
    %c0_i32_0 = arith.constant 0 : i32
    %c0_i32_1 = arith.constant 0 : i32
    return %c0_i32, %c0_i32_0 : i32, i32
  }
  func.func @transform_8(%arg0: i32) -> (i32, i32) {
    %c0_i32 = arith.constant 0 : i32
    %c0_i32_0 = arith.constant 0 : i32
    %c0_i32_1 = arith.constant 0 : i32
    return %c0_i32, %c0_i32_0 : i32, i32
  }
  func.func @transform_9(%arg0: i32) -> (i32, i32) {
    %c0_i32 = arith.constant 0 : i32
    %c0_i32_0 = arith.constant 0 : i32
    %c0_i32_1 = arith.constant 0 : i32
    return %c0_i32, %c0_i32_0 : i32, i32
  }
  func.func @transform_10(%arg0: i32) -> (i32, i32) {
    %c0_i32 = arith.constant 0 : i32
    %c0_i32_0 = arith.constant 0 : i32
    %c0_i32_1 = arith.constant 0 : i32
    return %c0_i32, %c0_i32_0 : i32, i32
  }
  func.func @transform_11(%arg0: i32) -> (i32, i32) {
    %c0_i32 = arith.constant 0 : i32
    %c0_i32_0 = arith.constant 0 : i32
    return %arg0, %c0_i32 : i32, i32
  }
  func.func @transform_12(%arg0: i32) -> (i32, i32) {
    %c0_i32 = arith.constant 0 : i32
    %c0_i32_0 = arith.constant 0 : i32
    return %arg0, %c0_i32 : i32, i32
  }
  func.func @transform_13(%arg0: i32) -> (i32, i32) {
    %c0_i32 = arith.constant 0 : i32
    %c0_i32_0 = arith.constant 0 : i32
    return %arg0, %c0_i32 : i32, i32
  }
}

module attributes {stable_mosaic.version = 14 : i64} {
  func.func @_fin_body(%arg0: i32, %arg1: memref<2000x64xf32, #tpu.memory_space<vmem>>, %arg2: memref<2x2000x64xf32, #tpu.memory_space<vmem>>, %arg3: memref<2000x16xf32, #tpu.memory_space<vmem>>, %arg4: memref<2000x64xf32, #tpu.memory_space<vmem>>) attributes {dimension_semantics = [#tpu.dimension_semantics<arbitrary>], iteration_bounds = array<i64: 5>, scalar_prefetch = 0 : i64, scratch_operands = 0 : i64, tpu.core_type = #tpu.core_type<tc>, window_params = [{transform_indices = @transform_0, window_bounds = array<i64: 2000, 64>}, {transform_indices = @transform_1, window_bounds = array<i64: 2, 2000, 64>}, {transform_indices = @transform_2, window_bounds = array<i64: 2000, 16>}, {transform_indices = @transform_3, window_bounds = array<i64: 2000, 64>}]} {
    %get3A = arith.constant 0 : index
    %get3A_0 = arith.constant 0 : index
    %get3A_1 = vector.load %arg3[%get3A, %get3A_0] : memref<2000x16xf32, #tpu.memory_space<vmem>>, vector<2000x1xf32>
    %get3A_2 = arith.constant 0 : index
    %get3A_3 = arith.constant 0 : index
    %get3A_4 = vector.load %arg1[%get3A_2, %get3A_3] : memref<2000x64xf32, #tpu.memory_space<vmem>>, vector<2000x64xf32>
    %get3A_5 = arith.constant 0 : index
    %get3A_6 = arith.constant 0 : index
    %get3A_7 = arith.constant 0 : index
    %get3A_8 = vector.load %arg2[%get3A_5, %get3A_6, %get3A_7] : memref<2x2000x64xf32, #tpu.memory_space<vmem>>, vector<1x2000x64xf32>
    %get3A_9 = vector.shape_cast %get3A_8 : vector<1x2000x64xf32> to vector<2000x64xf32>
    %get3A_10 = arith.constant 1 : index
    %get3A_11 = arith.constant 0 : index
    %get3A_12 = arith.constant 0 : index
    %get3A_13 = vector.load %arg2[%get3A_10, %get3A_11, %get3A_12] : memref<2x2000x64xf32, #tpu.memory_space<vmem>>, vector<1x2000x64xf32>
    %get3A_14 = vector.shape_cast %get3A_13 : vector<1x2000x64xf32> to vector<2000x64xf32>
    %add3A = arith.addf %get3A_9, %get3A_14 : vector<2000x64xf32>
    %mul3A = vector.broadcast %get3A_1 : vector<2000x1xf32> to vector<2000x64xf32>
    %mul3A_15 = arith.mulf %add3A, %mul3A : vector<2000x64xf32>
    %add3A_16 = arith.addf %get3A_4, %mul3A_15 : vector<2000x64xf32>
    %swap3A = arith.constant 0 : index
    %swap3A_17 = arith.constant 0 : index
    %swap3A_18 = vector.load %arg4[%swap3A, %swap3A_17] : memref<2000x64xf32, #tpu.memory_space<vmem>>, vector<2000x64xf32>
    tpu.vector_store %arg4[%swap3A, %swap3A_17], %add3A_16 {strides = array<i32>} : memref<2000x64xf32, #tpu.memory_space<vmem>>, vector<2000x64xf32>,
    return
  }
  func.func @transform_0(%arg0: i32) -> (i32, i32) {
    %c0_i32 = arith.constant 0 : i32
    %c0_i32_0 = arith.constant 0 : i32
    return %arg0, %c0_i32 : i32, i32
  }
  func.func @transform_1(%arg0: i32) -> (i32, i32, i32) {
    %c0_i32 = arith.constant 0 : i32
    %c0_i32_0 = arith.constant 0 : i32
    %c0_i32_1 = arith.constant 0 : i32
    return %c0_i32, %arg0, %c0_i32_0 : i32, i32, i32
  }
  func.func @transform_2(%arg0: i32) -> (i32, i32) {
    %c0_i32 = arith.constant 0 : i32
    %c0_i32_0 = arith.constant 0 : i32
    return %arg0, %c0_i32 : i32, i32
  }
  func.func @transform_3(%arg0: i32) -> (i32, i32) {
    %c0_i32 = arith.constant 0 : i32
    %c0_i32_0 = arith.constant 0 : i32
    return %arg0, %c0_i32 : i32, i32
  }
}

</mosaic_0001>

<sc_bundles>
// kernel: kernel.6.cloned.1.call-start
scs
__scs_entry_jumppad:
0x0: {  	(pc) =	sbr.rel $0x88, $3  }
0x1: {  	(tag) =	ssettag $0x0;
	lr =	simm.s32 $0x1  }
0x2: {  	[smem:$0x3F97] =	sst lr;
	_ =	strace $0xD0000000  }
0x3: {  	_ = 	snop  }
0x4: {  	_ = 	snop  }
0x5: {  	_ = 	snop  }
0x6: {  	_ = 	snop  }
0x7: {  	_ = 	snop  }
__scs_overlays_trampoline_lowered:
0x8: {  	[smem:$0x3FA6] =	sst s0  }
0x9: {  	[smem:$0x3FA7] =	sst s1  }
0xa: {  	[smem:$0x3FA8] =	sst s2  }
0xb: {  	[smem:$0x3FA9] =	sst s3  }
0xc: {  	[smem:$0x3FAA] =	sst s4  }
0xd: {  	[smem:$0x3FAB] =	sst s5  }
0xe: {  	[smem:$0x3FAC] =	sst s6  }
0xf: {  	[smem:$0x3FAD] =	sst s7  }
0x10: {  	[smem:$0x3FAE] =	sst s8  }
0x11: {  	[smem:$0x3FAF] =	sst s9;
	s0 =	simm.s32 @!p0 $0x0  }
0x12: {  	s1 =	sld [smem:$0x3F95];
	s0 =	simm.s32 @p0 $0x1  }
0x13: {  	[smem:$0x3FB0] =	sst s0;
	s0 =	simm.s32 @!p1 $0x0  }
0x14: {  	s2 =	sld [smem:$0x3F94];
	s0 =	simm.s32 @p1 $0x1  }
0x15: {  	[smem:$0x3FB1] =	sst s0;
	s0 =	simm.s32 @!p2 $0x0  }
0x16: {  	s3 =	sld [smem:$0x3FDB];
	s0 =	simm.s32 @p2 $0x1  }
0x17: {  	s4 =	simm.s32 $0x1BF5;
	[smem:$0x3FB3] =	sst s0  }
0x18: {  	s0 =	sld [smem:$0x3F96];
	_ =	swait.ge [sflag:s4], $0x0  }
0x19: {  	s7 =	sld [smem:$0x3F97]  }
0x1a: {  	s8 =	sadd.s32 $0xFFFFE003, lr  }
0x1b: {  	s9 =	sadd.s32 $0xFFFFFEF7, lr;
	s5 =	simm.s32 $0xFFFFFFFF;
	p2 =	slt.u32 s8, $0xFFFFF086  }
0x1c: {  	p1 =	slt.u32 s9, $0xF7A;
	s5 =	simm.s32 @!p2 $0x0  }
0x1d: {  	s5 =	simm.s32 @p1 $0x1;
	p0 =	seq.s32 s7, s2  }
0x1e: {  	s7 =	smul.u32 @!p0 $0xF7A, s2;
	p2 =	seq.s32 @!p0 s5, $0x0  }
0x1f: {  	s9 =	smul.u32 $0xF7A, s1;
	s8 =	simm.s32 @!p0 $0x1BF5;
	p2 =	por !p2, p0  }
0x20: {  	[sflag:s8] =	ssyncset.s32 @!p0 $0xFFFFF086;
	s6 =	sadd.s32 @!p0 s3, s7;
	s7 =	simm.s32 @!p0 $0x108  }
0x21: {  	s3 =	sadd.s32 s3, s9;
	s6 =	sadd.s32 @!p0 $0x88, s6;
	s7 =	simm.s32 @p2 $0x1082  }
0x22: {  	[simem:s7], [sflag:s8] =	dma.local @!p0 [hbm:s6], $0xF7A  }
0x23: {  	s9 =	sor.u32 $0xD0000000, s2;
	s6 =	simm.s32 $0x108;
	_ =	swait.ge @!p0 [sflag:s8], $0x0  }
0x24: {  	s3 =	sadd.s32 $0x88, s3;
	s6 =	simm.s32 @!p1 $0x1082;
	[sflag:s4] =	ssyncset.s32 $0xFFFFF086  }
0x25: {  	[simem:s6], [sflag:s4] =	dma.local [hbm:s3], $0xF7A  }
0x26: {  	[smem:$0x3F97] =	sst s1;
	(tag) =	ssettag s2;
	_ =	strace s9  }
0x27: {  	s1 =	sld [smem:$0x3FA7]  }
0x28: {  	s2 =	sld [smem:$0x3FA8]  }
0x29: {  	s4 =	sld [smem:$0x3FAA]  }
0x2a: {  	p0 =	seq.s32 s5, $0x0;
	s5 =	sld [smem:$0x3FAB]  }
0x2b: {  	s6 =	sld [smem:$0x3FAC]  }
0x2c: {  	s7 =	sld [smem:$0x3FAD]  }
0x2d: {  	s3 =	simm.s32 $0x108;
	s8 =	sld [smem:$0x3FAE]  }
0x2e: {  	s3 =	simm.s32 @!p0 $0x1082;
	s9 =	sld [smem:$0x3FAF]  }
0x2f: {  	lr =	sadd.s32 s0, s3;
	s0 =	sld [smem:$0x3FA6]  }
0x30: {  	s3 =	sld [smem:$0x3FA9]  }
0x31: {  	[smem:$0x3FB2] =	sst s10  }
0x32: {  	s10 =	sld [smem:$0x3FB0];
	_ =	sdelay $0x3  }
0x33: {  	p0 =	seq.s32 s10, $0x1;
	s10 =	sld [smem:$0x3FB2];
	_ =	sdelay $0x3  }
0x34: {  	[smem:$0x3FB2] =	sst s10  }
0x35: {  	s10 =	sld [smem:$0x3FB1];
	_ =	sdelay $0x3  }
0x36: {  	p1 =	seq.s32 s10, $0x1;
	s10 =	sld [smem:$0x3FB2];
	_ =	sdelay $0x3  }
0x37: {  	[smem:$0x3FB2] =	sst s10  }
0x38: {  	s10 =	sld [smem:$0x3FB3]  }
0x39: {  	_ = 	snop;
	(pc) =	sbr.ind lr, $3  }
0x3a: {  	_ = 	snop  }
0x3b: {  	_ = 	snop  }
0x3c: {  	p2 =	seq.s32 s10, $0x1;
	s10 =	sld [smem:$0x3FB2]  }
0x3d: {  	_ =	shalt  }
0x3e: {  	_ =	shalt  }
0x3f: {  	_ =	shalt  }
0x40: {  	_ =	shalt  }
0x41: {  	_ =	shalt  }
0x42: {  	_ =	shalt  }
0x43: {  	_ =	shalt  }
0x44: {  	_ =	shalt  }
0x45: {  	_ =	shalt  }
0x46: {  	_ =	shalt  }
0x47: {  	_ =	shalt  }
0x48: {  	_ =	shalt  }
0x49: {  	_ =	shalt  }
0x4a: {  	_ =	shalt  }
0x4b: {  	_ =	shalt  }
0x4c: {  	_ =	shalt  }
0x4d: {  	_ =	shalt  }
0x4e: {  	_ =	shalt  }
0x4f: {  	_ =	shalt  }
0x50: {  	_ =	shalt  }
0x51: {  	_ =	shalt  }
0x52: {  	_ =	shalt  }
0x53: {  	_ =	shalt  }
0x54: {  	_ =	shalt  }
0x55: {  	_ =	shalt  }
0x56: {  	_ =	shalt  }
0x57: {  	_ =	shalt  }
0x58: {  	_ =	shalt  }
0x59: {  	_ =	shalt  }
0x5a: {  	_ =	shalt  }
0x5b: {  	_ =	shalt  }
0x5c: {  	_ =	shalt  }
0x5d: {  	_ =	shalt  }
0x5e: {  	_ =	shalt  }
0x5f: {  	_ =	shalt  }
0x60: {  	_ =	shalt  }
0x61: {  	_ =	shalt  }
0x62: {  	_ =	shalt  }
0x63: {  	_ =	shalt  }
0x64: {  	_ =	shalt  }
0x65: {  	_ =	shalt  }
0x66: {  	_ =	shalt  }
0x67: {  	_ =	shalt  }
0x68: {  	_ =	shalt  }
0x69: {  	_ =	shalt  }
0x6a: {  	_ =	shalt  }
0x6b: {  	_ =	shalt  }
0x6c: {  	_ =	shalt  }
0x6d: {  	_ =	shalt  }
0x6e: {  	_ =	shalt  }
0x6f: {  	_ =	shalt  }
0x70: {  	_ =	shalt  }
0x71: {  	_ =	shalt  }
0x72: {  	_ =	shalt  }
0x73: {  	_ =	shalt  }
0x74: {  	_ =	shalt  }
0x75: {  	_ =	shalt  }
0x76: {  	_ =	shalt  }
0x77: {  	_ =	shalt  }
0x78: {  	_ =	shalt  }
0x79: {  	_ =	shalt  }
0x7a: {  	_ =	shalt  }
0x7b: {  	_ =	shalt  }
0x7c: {  	_ =	shalt  }
0x7d: {  	_ =	shalt  }
0x7e: {  	_ =	shalt  }
0x7f: {  	_ =	shalt  }
0x80: {  	_ =	shalt  }
0x81: {  	_ =	shalt  }
0x82: {  	_ =	shalt  }
0x83: {  	_ =	shalt  }
0x84: {  	_ =	shalt  }
0x85: {  	_ =	shalt  }
0x86: {  	_ =	shalt  }
0x87: {  	_ =	shalt  }
.Lfunc_end0:
.L_simem_size_0:
called_computation_lowered:
.L_overlay_start_0:
0x88: {  	s2 =	sld [smem:$0x3FD9]  }
0x89: {  	s3 =	sld [smem:$0x3FFE];
	_ =	sdelay $0x1  }
0x8a: {  	s1 =	srdreg.scid  }
0x8b: {  	s0 =	sand.u32 $0x1, s1  }
0x8c: {  	s17 =	sshll.u32 s0, $0xA;
	s2 =	sadd.s32 s3, s2  }
0x8d: {  	s2 =	sadd.s32 s2, s17  }
0x8e: {  	[smem:$0x3FBE] =	sst s2  }
0x8f: {  	_ = 	snop  }
0x90: {  	s2 =	sld [smem:$0x3FD0];
	(tm) =	ssettm $0x1  }
0x91: {  	s18 =	sld [smem:$0x3FFB];
	_ =	sdelay $0x3  }
0x92: {  	_ =	strace s18  }
0x93: {  	s3 =	sld [smem:$0x3FFC];
	_ =	sdelay $0x3  }
0x94: {  	_ =	strace s3  }
0x95: {  	s3 =	sld [smem:$0x3FFD];
	_ =	sdelay $0x3  }
0x96: {  	_ =	strace s3  }
0x97: {  	_ =	strace $0x8FFFFFFF  }
0x98: {  	s19 =	sld [smem:$0x3FDB];
	_ =	sdelay $0x1  }
0x99: {  	s4 =	simm.s32 $_scs_section_size  }
0x9a: {  	s5 =	simm.s32 $_size__tile_overlayer_lowered;
	s6 =	simm.s32 $_tile_overlayer_lowered  }
0x9b: {  	s22 =	simm.s32 $0x1BFF;
	s21 =	sshll.u32 s6, $0x1;
	s3 =	sadd.s32 s4, s19  }
0x9c: {  	s7 =	simm.s32 $0x0;
	s20 =	sshll.u32 s5, $0x1;
	s5 =	sadd.s32 s21, s3  }
0x9d: {  	[timem:s7], [sflag:s22] =	dma.local [hbm:s5], s20  }
0x9e: {  	_ =	swait.ge [sflag:s22], s20  }
0x9f: {  	s4 =	ssub.s32 $0x0, s20;
	[sflag:s22] =	ssyncset.done $0x0  }
0xa0: {  	[sflag:s22] =	ssyncadd.s32 s4;
	_ =	sdelay $0x1  }
0xa1: {  	s23 =	simm.s32 $0x1B8B  }
0xa2: {  	_ =	swait.ge [sflag:s23], $0x1  }
0xa3: {  	[sflag:s23] =	ssyncset.done $0x0  }
0xa4: {  	s25 =	simm.s32 $0x1B8E;
	s24 =	sld [smem:$0x3FFE];
	[sflag:s23] =	ssyncadd.s32 $0xFFFFFFFF  }
0xa5: {  	s26 =	simm.s32 $execute0_lowered;
	[smem:$0x3FD2] =	sst s25  }
0xa6: {  	s5 =	sshll.u32 s26, $0x1;
	_ =	strace $0x80000046;
	[dreg:$0x1] =	wrdreg $0xFFFFFFFF  }
0xa7: {  	s28 =	simm.s32 $_size_execute0_lowered;
	s3 =	sadd.s32 s3, s5;
	[dreg:$0x0] =	wrdreg $0x0  }
0xa8: {  	s5 =	sshll.u32 s28, $0x1;
	[dreg:$0x2] =	wrdreg s3  }
0xa9: {  	[dreg:$0x3] =	wrdreg s5  }
0xaa: {  	[dreg:$0x4] =	wrdreg $0xC0  }
0xab: {  	_ =	task [dreg:s7], $0x5FFFF  }
0xac: {  	[dreg:$0x1] =	wrdreg $0xFFFFFFFF  }
0xad: {  	[dreg:$0x0] =	wrdreg $0x60  }
0xae: {  	[dreg:$0x2] =	wrdreg s24  }
0xaf: {  	[dreg:$0x3] =	wrdreg s2  }
0xb0: {  	[dreg:$0x4] =	wrdreg $0x11D000  }
0xb1: {  	[dreg:$0x5] =	wrdreg $0x1C1100  }
0xb2: {  	[dreg:$0x6] =	wrdreg $0x9  }
0xb3: {  	_ =	task.clear_ibuf [dreg:s7], $0x7FFFF;
	_ =	strace $0x90000046  }
0xb4: {  	s29 =	simm.s32 $0x9;
	_ =	strace $0x80000048  }
0xb5: {  	_ =	swait.ge [sflag:s29], $0x1  }
0xb6: {  	[sflag:s29] =	ssyncadd.s32 $0xFFFFFFFF  }
0xb7: {  	_ =	strace $0x90000048  }
0xb8: {  	_ =	sfence  }
0xb9: {  	s30 =	sld [smem:$0x0];
	_ =	sdelay $0x2  }
0xba: {  	s31 =	sshll.u32 s1, $0xD;
	s1 =	sshrl.u32 s1, $0x2  }
0xbb: {  	s3 =	sand.u32 $0x4000, s31;
	s1 =	sadd.s32 s1, s30  }
0xbc: {  	s0 =	sor.u32 s3, s0;
	s1 =	sshll.u32 s1, $0x11  }
0xbd: {  	s0 =	sor.u32 s1, s0  }
0xbe: {  	s0 =	sadd.s32 $0x8F2B, s0  }
0xbf: {  	[sflag:s0] =	ssyncadd.remote.s32 $0x1  }
0xc0: {  	_ =	sfence.sel $0xFFFF  }
0xc1: {  	[dreg:$0x0] =	wrdreg $0xFFFFFFFF;
	(pc) =	sbr.abs _section_cstart, $3  }
0xc2: {  	[dreg:$0x1] =	wrdreg $0xFFFFFFFF  }
0xc3: {  	_ =	task.clear_ibuf [dreg:s7], $0x2FFFF;
	_ =	strace $0x9FFFFFFF  }
0xc4: {  	(tm) =	ssettm $0x7FFFFFFF  }
0xc5: {  	_ =	shalt  }
tec
execute0_lowered:
.L_overlay_start_1:
0x0: {  	(tag) =	ssettag $0x1  }
0x1: {  	s0 =	rddreg [dreg:$0x0]  }
0x2: {  	s3 =	rddreg [dreg:$0x1]  }
0x3: {  	s1 =	rddreg [dreg:$0x2]  }
0x4: {  	s2 =	rddreg [dreg:$0x3];
	s4 =	srdreg.scid;
	s5 =	simm.s32 $0x0  }
0x5: {  	s28 =	simm.s32 $0x2;
	s29 =	simm.s32 $0x3;
	s30 =	simm.s32 $0x4  }
0x6: {  	s31 =	simm.s32 $0x9;
	s6 =	sand.u32 $0x1, s4;
	s4 =	stileid.u32  }
0x7: {  	[smem:$0x7FF] =	sst s5;
	s26 =	sadd.s32 $0x33600, s0;
	s7 =	sadd.s32 $0x35000, s0  }
0x8: {  	s14 =	sadd.s32 $0x3F000, s0;
	s21 =	sadd.s32 $0x9C000, s1;
	s22 =	sadd.s32 $0x27000, s2  }
0x9: {  	s8 =	smul.u32 $0x9C400, s6;
	_ =	strace $0x80000047;
	[dreg:$0x5] =	wrdreg s26  }
0xa: {  	s9 =	smul.u32 $0xA00, s4;
	[dreg:$0x6] =	wrdreg s7;
	s7 =	sadd.s32 $0x34A00, s0  }
0xb: {  	s13 =	ssub.s32 $0x2, s6;
	s16 =	smul.u32 $0x2700, s4;
	[dreg:$0xc] =	wrdreg s21  }
0xc: {  	[dreg:$0xd] =	wrdreg s22;
	p0 =	sne.s32 s4, $0xF;
	s15 =	sshrl.u32 s13, $0x1  }
0xd: {  	s11 =	sshrl.u32 s8, $0x3;
	s10 =	sadd.s32 s9, s0;
	s15 =	ssub.s32 s13, s15  }
0xe: {  	s3 =	sadd.s32 s3, s9;
	s9 =	smul.u32 $0x9C00, s4;
	s20 =	sadd.s32 s16, s2  }
0xf: {  	s12 =	sadd.s32 s11, s0;
	s0 =	sadd.s32 $0x35200, s0;
	[dreg:$0x7] =	wrdreg s3  }
0x10: {  	s13 =	sadd.s32 $0x29600, s10;
	s10 =	sshll.u32 s4, $0x6;
	[dreg:$0xb] =	wrdreg s20  }
0x11: {  	s25 =	sadd.s32 s14, s11;
	s26 =	smax.u32 s15, $0x1;
	s15 =	simm.s32 $0xB  }
0x12: {  	[dreg:$0x8] =	wrdreg s13;
	s18 =	sadd.s32 s9, s1;
	s13 =	smul.u32 $0x50, s6  }
0x13: {  	s19 =	sor.u32 $0x1C03, s10;
	s6 =	smul.u32 $0x27100, s6;
	[dreg:$0x12] =	wrdreg s26  }
0x14: {  	s17 =	sadd.s32 $0x2400, s12;
	s3 =	sadd.s32 s9, s8;
	[dreg:$0x9] =	wrdreg s18  }
0x15: {  	s26 =	simm.s32 $0x1;
	s9 =	simm.s32 $0x6;
	[dreg:$0xa] =	wrdreg s19  }
0x16: {  	s3 =	sshrl.u32 s3, $0x3;
	s18 =	sadd.s32 $0x50, s13;
	s23 =	sadd.s32 s16, s6  }
0x17: {  	s3 =	sadd.s32 s14, s3;
	s6 =	sshrl.u32 s6, $0x3;
	s16 =	simm.s32 $0x0  }
.Ltmp0:
0x18: {  	[dreg:$0xe] =	wrdreg s3;
	s24 =	sshrl.u32 s23, $0x3;
	(pc) =	sbr.rel .LBB2_1-.Ltmp0, $4  }
0x19: {  	s3 =	sadd.s32 s0, s24;
	s0 =	sadd.s32 s0, s6;
	s24 =	simm.s32 $0xDE80  }
0x1a: {  	s6 =	simm.s32 $0xFDC0;
	[dreg:$0xf] =	wrdreg s3;
	s3 =	sadd.s32 $0x13800, s25  }
0x1b: {  	s0 =	sadd.s32 $0x4E00, s0;
	s25 =	simm.s32 $0xBF40;
	[dreg:$0x10] =	wrdreg s3  }
0x1c: {  	[dreg:$0x11] =	wrdreg s0;
	s0 =	simm.s32 $0x7D;
	s3 =	simm.s32 $0xA000  }
.LBB2_4:
0x1d: {  	s4 =	simm.s32 $0x5  }
0x1e: {  	_ =	swait.ge [sflag:s4], $0x1F40  }
0x1f: {  	[sflag:s4] =	ssyncset.done $0x0  }
0x20: {  	[sflag:s4] =	ssyncadd.s32 $0xFFFFE0C0  }
0x21: {  	_ =	swait.ge [sflag:s9], $0x1F40  }
0x22: {  	[sflag:s9] =	ssyncset.done $0x0  }
0x23: {  	s11 =	simm.s32 $0x7;
	[sflag:s9] =	ssyncadd.s32 $0xFFFFE0C0  }
0x24: {  	_ =	swait.ge [sflag:s11], $0x1F40  }
0x25: {  	[sflag:s11] =	ssyncset.done $0x0  }
0x26: {  	s12 =	simm.s32 $0x8;
	[sflag:s11] =	ssyncadd.s32 $0xFFFFE0C0  }
0x27: {  	_ =	swait.ge [sflag:s12], $0x1F40  }
0x28: {  	[sflag:s12] =	ssyncset.done $0x0  }
0x29: {  	[sflag:s12] =	ssyncadd.s32 $0xFFFFE0C0  }
0x2a: {  	_ =	swait.ge [sflag:s31], $0x7D0  }
0x2b: {  	[sflag:s31] =	ssyncset.done $0x0  }
0x2c: {  	s14 =	simm.s32 $0xA;
	[sflag:s31] =	ssyncadd.s32 $0xFFFFF830  }
0x2d: {  	_ =	swait.ge [sflag:s14], $0x7D0  }
0x2e: {  	[sflag:s14] =	ssyncset.done $0x0  }
0x2f: {  	[sflag:s14] =	ssyncadd.s32 $0xFFFFF830  }
0x30: {  	[bflag:$0x0] =	sbarrier.arrive $0xFFFF  }
0x31: {  	s4 =	sor.u32 $0x1C0B, s10;
	s5 =	rddreg [dreg:$0xe]  }
0x32: {  	[hbm:s5], [sflag:s4] =	dma.local [spmem:s19], $0x1380  }
0x33: {  	_ =	swait.ge [sflag:s15], $0x1380  }
0x34: {  	[sflag:s15] =	ssyncset.done $0x0  }
0x35: {  	s19 =	rddreg [dreg:$0xf];
	[sflag:s15] =	ssyncadd.s32 $0xFFFFEC80  }
0x36: {  	[hbm:s19], [sflag:s4] =	dma.local [spmem:s20], $0x4E0  }
0x37: {  	_ =	swait.ge [sflag:s15], $0x4E0  }
0x38: {  	[sflag:s15] =	ssyncset.done $0x0  }
0x39: {  	s5 =	rddreg [dreg:$0x10];
	[sflag:s15] =	ssyncadd.s32 $0xFFFFFB20  }
0x3a: {  	[hbm:s5], [sflag:s4] =	dma.local @!p0 [spmem:s21], $0x80  }
0x3b: {  	s5 =	simm.s32 @!p0 $0xB  }
0x3c: {  	_ =	swait.ge @!p0 [sflag:s5], $0x80  }
0x3d: {  	[sflag:s5] =	ssyncset.done @!p0 $0x0  }
0x3e: {  	s8 =	rddreg [dreg:$0x11];
	[sflag:s5] =	ssyncadd.s32 @!p0 $0xFFFFFF80  }
0x3f: {  	[hbm:s8], [sflag:s4] =	dma.local @!p0 [spmem:s22], $0x20  }
0x40: {  	_ =	swait.ge @!p0 [sflag:s5], $0x20  }
0x41: {  	s16 =	sadd.s32 $0x1, s16;
	s23 =	rddreg [dreg:$0x12]  }
0x42: {  	p1 =	sne.s32 s16, s23  }
.Ltmp1:
0x43: {  	_ = 	snop;
	(pc) =	sbr.rel @!p1 .LBB2_5-.Ltmp1, $3  }
0x44: {  	_ =	sdelay $0x1  }
0x45: {  	[sflag:s5] =	ssyncset.done @!p0 $0x0  }
0x46: {  	[sflag:s5] =	ssyncadd.s32 @!p0 $0xFFFFFFE0  }
.LBB2_1:
0x47: {  	s5 =	rddreg [dreg:$0x7]  }
0x48: {  	s14 =	rddreg [dreg:$0x8]  }
0x49: {  	s19 =	rddreg [dreg:$0x9]  }
0x4a: {  	s4 =	simm.s32 $0x0;
	s20 =	rddreg [dreg:$0xa]  }
0x4b: {  	[tilespmem:s4], [sflag:$0x1] =	stream.linear.gather [hbm4b:s5+s4], $0x5000, $0x38;
	[tilespmem:$0x1E820] =	vst v63  }
0x4c: {  	s8 =	simm.s32 $0x5000;
	s19 =	sshrl.u32 s19, $0x3;
	s5 =	rddreg [dreg:$0x5]  }
0x4d: {  	[tilespmem:s8], [sflag:$0x2] =	stream.linear.gather [hbm4b:s14+s4], $0x5000, $0x38;
	[tilespmem:$0x1E820] =	vst v63  }
0x4e: {  	[spmem:s19], [sflag:s20] =	dma.local [hbm:s5], $0x1380  }
0x4f: {  	s8 =	rddreg [dreg:$0x6]  }
0x50: {  	s11 =	simm.s32 $0x1B940;
	s22 =	rddreg [dreg:$0xb]  }
0x51: {  	[tilespmem:s11], [sflag:$0x4] =	stream.linear.gather [hbm4b:s8+s4], $0x7D0, $0x38;
	[tilespmem:$0x1E820] =	vst v63  }
0x52: {  	s21 =	sor.u32 $0x1C09, s10;
	s20 =	sshrl.u32 s22, $0x3  }
0x53: {  	[spmem:s20], [sflag:s21] =	dma.local [hbm:s7], $0x4E0  }
0x54: {  	_ =	swait.ge [sflag:s26], $0x5000  }
0x55: {  	[sflag:s26] =	ssyncset.done $0x0  }
0x56: {  	[sflag:s26] =	ssyncadd.s32 $0xFFFFB000  }
0x57: {  	_ =	swait.ge [sflag:s28], $0x5000  }
0x58: {  	[sflag:s28] =	ssyncset.done $0x0  }
0x59: {  	[sflag:s28] =	ssyncadd.s32 $0xFFFFB000  }
0x5a: {  	_ =	swait.ge [sflag:s29], $0x1380  }
0x5b: {  	[sflag:s29] =	ssyncset.done $0x0  }
0x5c: {  	[sflag:s29] =	ssyncadd.s32 $0xFFFFEC80  }
0x5d: {  	_ =	swait.ge [sflag:s30], $0x7D0  }
0x5e: {  	[sflag:s30] =	ssyncset.done $0x0  }
0x5f: {  	[sflag:s30] =	ssyncadd.s32 $0xFFFFF830  }
0x60: {  	_ =	swait.ge [sflag:s31], $0x4E0  }
0x61: {  	s11 =	simm.s32 @!p0 $0xB;
	[sflag:s31] =	ssyncset.done $0x0;
	s8 =	rddreg [dreg:$0xc]  }
0x62: {  	[sflag:s31] =	ssyncadd.s32 $0xFFFFFB20;
	s21 =	sshrl.u32 @!p0 s8, $0x3;
	s8 =	simm.s32 @!p0 $0x1FCB  }
0x63: {  	[spmem:s21], [sflag:s8] =	dma.local @!p0 [hbm:s5], $0x80  }
0x64: {  	_ =	swait.ge @!p0 [sflag:s11], $0x80  }
0x65: {  	[sflag:s11] =	ssyncset.done @!p0 $0x0;
	s5 =	rddreg [dreg:$0xd]  }
0x66: {  	[sflag:s11] =	ssyncadd.s32 @!p0 $0xFFFFFF80;
	s22 =	sshrl.u32 @!p0 s5, $0x3  }
0x67: {  	[spmem:s22], [sflag:s8] =	dma.local @!p0 [hbm:s7], $0x20  }
0x68: {  	_ =	swait.ge @!p0 [sflag:s11], $0x20  }
0x69: {  	[sflag:s11] =	ssyncset.done @!p0 $0x0  }
0x6a: {  	[sflag:s11] =	ssyncadd.s32 @!p0 $0xFFFFFFE0  }
0x6b: {  	[bflag:$0x0] =	sbarrier.arrive $0xFFFF  }
0x6c: {  	[tilespmem:s3], [sflag:$0x1] =	stream.indirect.gather [hbm4b:s17+s0], $0x40, s4, s0, $0xb8;
	[tilespmem:$0x1E820] =	vst v63  }
0x6d: {  	s23 =	simm.s32 $0x80  }
0x6e: {  	[tilespmem:s25], [sflag:$0x2] =	stream.indirect.gather [hbm4b:s17+s0], $0x40, s23, s0, $0xb8;
	[tilespmem:$0x1E820] =	vst v63  }
0x6f: {  	s8 =	simm.s32 $0x0;
	s23 =	simm.s32 $0x0  }
.LBB2_2:
0x70: {  	_ =	swait.ge [sflag:s26], $0x1F40;
	p1 =	slt.u32 s23, s13  }
0x71: {  	s11 =	sshra.s32 s8, $0x2;
	[sflag:s26] =	ssyncset.done $0x0;
	p2 =	sge.u32 @!p1 s23, s18  }
0x72: {  	s12 =	sadd.s32 $0x5000, s11;
	[sflag:s26] =	ssyncadd.s32 $0xFFFFE0C0;
	p3 =	por p2, p1  }
0x73: {  	[spmem:s1] =	stream.indirect.scatter.add.f32 [tilespmem:s3], [sflag:$0x5], $0x40, s12, s0, $0xb8;
	[tilespmem:$0x1E820] =	vst v63  }
0x74: {  	p4 =	sle.u32 @!p3 s23, s13  }
0x75: {  	p2 =	por @!p1 p4, p2  }
0x76: {  	p1 =	por p2, p1  }
0x77: {  	s14 =	simm.s32 @!p1 $0x9  }
0x78: {  	_ =	swait.ge @!p1 [sflag:s14], $0x7D0  }
0x79: {  	s4 =	simm.s32 @!p3 $0x1B940;
	[sflag:s14] =	ssyncset.done @!p1 $0x0  }
0x7a: {  	[sflag:s14] =	ssyncadd.s32 @!p1 $0xFFFFF830;
	s14 =	simm.s32 @!p3 $0x7D;
	p1 =	seq.s32 s8, $0x0  }
0x7b: {  	[spmem:s2] =	stream.indirect.scatter.add.f32 @!p3 [tilespmem:s4], [sflag:$0x9], $0x10, s12, s14, $0xb8;
	[tilespmem:$0x1E820] =	vst v63  }
0x7c: {  	s4 =	simm.s32 @!p1 $0x7  }
0x7d: {  	_ =	swait.ge @!p1 [sflag:s4], $0x1F40  }
0x7e: {  	[sflag:s4] =	ssyncset.done @!p1 $0x0  }
0x7f: {  	s12 =	sadd.s32 $0x100, s11;
	[sflag:s4] =	ssyncadd.s32 @!p1 $0xFFFFE0C0;
	s4 =	sadd.s32 $0x1, s23  }
0x80: {  	[tilespmem:s24], [sflag:$0x3] =	stream.indirect.gather [hbm4b:s17+s0], $0x40, s12, s0, $0xb8;
	[tilespmem:$0x1E820] =	vst v63  }
0x81: {  	p2 =	slt.u32 s4, s13  }
0x82: {  	_ =	swait.ge [sflag:s28], $0x1F40;
	p3 =	sge.u32 @!p2 s4, s18  }
0x83: {  	[sflag:s28] =	ssyncset.done $0x0;
	p4 =	por p3, p2  }
0x84: {  	s12 =	sadd.s32 $0x5080, s11;
	[sflag:s28] =	ssyncadd.s32 $0xFFFFE0C0;
	p5 =	sle.u32 @!p4 s23, s13  }
0x85: {  	[spmem:s1] =	stream.indirect.scatter.add.f32 [tilespmem:s25], [sflag:$0x6], $0x40, s12, s0, $0xb8;
	[tilespmem:$0x1E820] =	vst v63  }
0x86: {  	p3 =	por @!p2 p5, p3  }
0x87: {  	p2 =	por p3, p2  }
0x88: {  	s14 =	simm.s32 @!p2 $0xA  }
0x89: {  	_ =	swait.ge @!p2 [sflag:s14], $0x7D0  }
0x8a: {  	[sflag:s14] =	ssyncset.done @!p2 $0x0  }
0x8b: {  	s5 =	simm.s32 @!p4 $0x1B940;
	[sflag:s14] =	ssyncadd.s32 @!p2 $0xFFFFF830;
	s14 =	simm.s32 @!p4 $0x7D  }
0x8c: {  	[spmem:s2] =	stream.indirect.scatter.add.f32 @!p4 [tilespmem:s5], [sflag:$0xA], $0x10, s12, s14, $0xb8;
	[tilespmem:$0x1E820] =	vst v63  }
0x8d: {  	s5 =	simm.s32 @!p1 $0x8  }
0x8e: {  	_ =	swait.ge @!p1 [sflag:s5], $0x1F40  }
0x8f: {  	[sflag:s5] =	ssyncset.done @!p1 $0x0  }
0x90: {  	s14 =	sadd.s32 $0x180, s11;
	[sflag:s5] =	ssyncadd.s32 @!p1 $0xFFFFE0C0;
	s5 =	sadd.s32 $0x2, s23  }
0x91: {  	[tilespmem:s6], [sflag:$0x4] =	stream.indirect.gather [hbm4b:s17+s0], $0x40, s14, s0, $0xb8;
	[tilespmem:$0x1E820] =	vst v63  }
0x92: {  	p1 =	slt.u32 s5, s13  }
0x93: {  	_ =	swait.ge [sflag:s29], $0x1F40;
	p2 =	sge.u32 @!p1 s5, s18  }
0x94: {  	[sflag:s29] =	ssyncset.done $0x0;
	p3 =	por p2, p1  }
0x95: {  	s12 =	sadd.s32 $0x5100, s11;
	[sflag:s29] =	ssyncadd.s32 $0xFFFFE0C0;
	p4 =	slt.u32 @!p3 s23, s13  }
0x96: {  	[spmem:s1] =	stream.indirect.scatter.add.f32 [tilespmem:s24], [sflag:$0x7], $0x40, s12, s0, $0xb8;
	[tilespmem:$0x1E820] =	vst v63  }
0x97: {  	p2 =	por @!p1 p4, p2  }
0x98: {  	p1 =	por p2, p1  }
0x99: {  	s5 =	simm.s32 @!p1 $0x9  }
0x9a: {  	_ =	swait.ge @!p1 [sflag:s5], $0x7D0  }
0x9b: {  	s14 =	simm.s32 @!p3 $0x1B940;
	[sflag:s5] =	ssyncset.done @!p1 $0x0  }
0x9c: {  	[sflag:s5] =	ssyncadd.s32 @!p1 $0xFFFFF830;
	s5 =	simm.s32 @!p3 $0x7D;
	p1 =	seq.s32 s8, $0x13800  }
0x9d: {  	[spmem:s2] =	stream.indirect.scatter.add.f32 @!p3 [tilespmem:s14], [sflag:$0x9], $0x10, s12, s5, $0xb8;
	[tilespmem:$0x1E820] =	vst v63  }
0x9e: {  	s5 =	simm.s32 @!p1 $0x5  }
0x9f: {  	_ =	swait.ge @!p1 [sflag:s5], $0x1F40  }
0xa0: {  	[sflag:s5] =	ssyncset.done @!p1 $0x0  }
0xa1: {  	[sflag:s5] =	ssyncadd.s32 @!p1 $0xFFFFE0C0;
	s5 =	sshra.s32 @!p1 s8, $0x2  }
0xa2: {  	s12 =	simm.s32 @!p1 $0x7D;
	s14 =	simm.s32 @!p1 $0xA000;
	s5 =	sadd.s32 @!p1 $0x200, s5  }
0xa3: {  	[tilespmem:s14], [sflag:$0x1] =	stream.indirect.gather @!p1 [hbm4b:s17+s12], $0x40, s5, s12, $0xb8;
	[tilespmem:$0x1E820] =	vst v63  }
0xa4: {  	s5 =	sadd.s32 $0x3, s23  }
0xa5: {  	_ =	swait.ge [sflag:s30], $0x1F40;
	p2 =	slt.u32 s5, s13  }
0xa6: {  	[sflag:s30] =	ssyncset.done $0x0;
	p3 =	sge.u32 @!p2 s5, s18  }
0xa7: {  	s12 =	sadd.s32 $0x5180, s11;
	[sflag:s30] =	ssyncadd.s32 $0xFFFFE0C0;
	p4 =	por p3, p2  }
0xa8: {  	[spmem:s1] =	stream.indirect.scatter.add.f32 [tilespmem:s6], [sflag:$0x8], $0x40, s12, s0, $0xb8;
	[tilespmem:$0x1E820] =	vst v63  }
0xa9: {  	p5 =	slt.u32 @!p4 s4, s13  }
0xaa: {  	p3 =	por @!p2 p5, p3  }
0xab: {  	p2 =	por p3, p2  }
.Ltmp2:
0xac: {  	s4 =	simm.s32 @!p2 $0xA;
	(pc) =	sbr.rel @p1 .LBB2_4-.Ltmp2, $4  }
0xad: {  	_ =	swait.ge @!p2 [sflag:s4], $0x7D0  }
0xae: {  	[sflag:s4] =	ssyncset.done @!p2 $0x0  }
0xaf: {  	s5 =	simm.s32 @!p4 $0x1B940;
	[sflag:s4] =	ssyncadd.s32 @!p2 $0xFFFFF830;
	s4 =	simm.s32 @!p4 $0x7D  }
0xb0: {  	[spmem:s2] =	stream.indirect.scatter.add.f32 @!p4 [tilespmem:s5], [sflag:$0xA], $0x10, s12, s4, $0xb8;
	[tilespmem:$0x1E820] =	vst v63  }
.Ltmp3:
0xb1: {  	(pc) =	sbr.rel .LBB2_2-.Ltmp3, $4  }
0xb2: {  	_ =	swait.ge [sflag:s9], $0x1F40  }
0xb3: {  	s4 =	sadd.s32 $0x280, s11;
	[sflag:s9] =	ssyncset.done $0x0  }
0xb4: {  	s8 =	sadd.s32 $0x800, s8;
	s23 =	sadd.s32 $0x4, s23;
	[sflag:s9] =	ssyncadd.s32 $0xFFFFE0C0  }
0xb5: {  	[tilespmem:s25], [sflag:$0x2] =	stream.indirect.gather [hbm4b:s17+s0], $0x40, s4, s0, $0xb8;
	[tilespmem:$0x1E820] =	vst v63  }
.LBB2_5:
0xb6: {  	_ =	sfence.sel $0x180000  }
0xb7: {  	[bflag:$0x0] =	sbarrier.arrive $0xFFFF  }
0xb8: {  	_ =	strace $0x90000047  }
0xb9: {  	s0 =	stileid.u32;
	[bflag:$0x2] =	sbarrier.arrive $0xFFFF  }
0xba: {  	p0 =	sne.s32 s0, $0x0;
	s0 =	rddreg [dreg:$0x4]  }
0xbb: {  	s0 =	sadd.s32 @!p0 $0x100000, s0  }
0xbc: {  	[sflag:s0] =	ssyncadd.tile.s32 @!p0 $0x1;
	_ =	shalt  }
.Lfunc_end2:
_tile_overlayer_lowered:
.L_overlay_start_2:
0xbd: {  	(tag) =	ssettag $0x2  }
0xbe: {  	s0 =	rddreg [dreg:$0x0];
	s2 =	stileid.u32  }
0xbf: {  	s1 =	rddreg [dreg:$0x1];
	p0 =	sne.s32 s2, $0x0  }
0xc0: {  	s3 =	rddreg [dreg:$0x2];
	[bflag:$0x3] =	sbarrier.arrive $0xFFFF;
	s2 =	simm.s32 @!p0 $0x1C0B  }
0xc1: {  	[timem:s3], [sflag:s2] =	dma.local @!p0 [hbm:s0], s1  }
0xc2: {  	s0 =	simm.s32 @!p0 $0xB  }
0xc3: {  	_ =	swait.ge @!p0 [sflag:s0], s1  }
0xc4: {  	s1 =	ssub.s32 @!p0 $0x0, s1;
	[sflag:s0] =	ssyncset.done @!p0 $0x0  }
0xc5: {  	[sflag:s0] =	ssyncadd.s32 @!p0 s1  }
0xc6: {  	[bflag:$0x3] =	sbarrier.arrive $0xFFFF  }
0xc7: {  	_ =	shalt  }

// kernel: kernel.9.cloned.1.call-start
scs
__scs_entry_jumppad:
0x0: {  	(pc) =	sbr.rel $0x88, $3  }
0x1: {  	(tag) =	ssettag $0x0;
	lr =	simm.s32 $0x1  }
0x2: {  	[smem:$0x3F97] =	sst lr;
	_ =	strace $0xD0000000  }
0x3: {  	_ = 	snop  }
0x4: {  	_ = 	snop  }
0x5: {  	_ = 	snop  }
0x6: {  	_ = 	snop  }
0x7: {  	_ = 	snop  }
__scs_overlays_trampoline_lowered:
0x8: {  	[smem:$0x3FA6] =	sst s0  }
0x9: {  	[smem:$0x3FA7] =	sst s1  }
0xa: {  	[smem:$0x3FA8] =	sst s2  }
0xb: {  	[smem:$0x3FA9] =	sst s3  }
0xc: {  	[smem:$0x3FAA] =	sst s4  }
0xd: {  	[smem:$0x3FAB] =	sst s5  }
0xe: {  	[smem:$0x3FAC] =	sst s6  }
0xf: {  	[smem:$0x3FAD] =	sst s7  }
0x10: {  	[smem:$0x3FAE] =	sst s8  }
0x11: {  	[smem:$0x3FAF] =	sst s9;
	s0 =	simm.s32 @!p0 $0x0  }
0x12: {  	s1 =	sld [smem:$0x3F95];
	s0 =	simm.s32 @p0 $0x1  }
0x13: {  	[smem:$0x3FB0] =	sst s0;
	s0 =	simm.s32 @!p1 $0x0  }
0x14: {  	s2 =	sld [smem:$0x3F94];
	s0 =	simm.s32 @p1 $0x1  }
0x15: {  	[smem:$0x3FB1] =	sst s0;
	s0 =	simm.s32 @!p2 $0x0  }
0x16: {  	s3 =	sld [smem:$0x3FDB];
	s0 =	simm.s32 @p2 $0x1  }
0x17: {  	s4 =	simm.s32 $0x1BF5;
	[smem:$0x3FB3] =	sst s0  }
0x18: {  	s0 =	sld [smem:$0x3F96];
	_ =	swait.ge [sflag:s4], $0x0  }
0x19: {  	s7 =	sld [smem:$0x3F97]  }
0x1a: {  	s8 =	sadd.s32 $0xFFFFE003, lr  }
0x1b: {  	s9 =	sadd.s32 $0xFFFFFEF7, lr;
	s5 =	simm.s32 $0xFFFFFFFF;
	p2 =	slt.u32 s8, $0xFFFFF086  }
0x1c: {  	p1 =	slt.u32 s9, $0xF7A;
	s5 =	simm.s32 @!p2 $0x0  }
0x1d: {  	s5 =	simm.s32 @p1 $0x1;
	p0 =	seq.s32 s7, s2  }
0x1e: {  	s7 =	smul.u32 @!p0 $0xF7A, s2;
	p2 =	seq.s32 @!p0 s5, $0x0  }
0x1f: {  	s9 =	smul.u32 $0xF7A, s1;
	s8 =	simm.s32 @!p0 $0x1BF5;
	p2 =	por !p2, p0  }
0x20: {  	[sflag:s8] =	ssyncset.s32 @!p0 $0xFFFFF086;
	s6 =	sadd.s32 @!p0 s3, s7;
	s7 =	simm.s32 @!p0 $0x108  }
0x21: {  	s3 =	sadd.s32 s3, s9;
	s6 =	sadd.s32 @!p0 $0x88, s6;
	s7 =	simm.s32 @p2 $0x1082  }
0x22: {  	[simem:s7], [sflag:s8] =	dma.local @!p0 [hbm:s6], $0xF7A  }
0x23: {  	s9 =	sor.u32 $0xD0000000, s2;
	s6 =	simm.s32 $0x108;
	_ =	swait.ge @!p0 [sflag:s8], $0x0  }
0x24: {  	s3 =	sadd.s32 $0x88, s3;
	s6 =	simm.s32 @!p1 $0x1082;
	[sflag:s4] =	ssyncset.s32 $0xFFFFF086  }
0x25: {  	[simem:s6], [sflag:s4] =	dma.local [hbm:s3], $0xF7A  }
0x26: {  	[smem:$0x3F97] =	sst s1;
	(tag) =	ssettag s2;
	_ =	strace s9  }
0x27: {  	s1 =	sld [smem:$0x3FA7]  }
0x28: {  	s2 =	sld [smem:$0x3FA8]  }
0x29: {  	s4 =	sld [smem:$0x3FAA]  }
0x2a: {  	p0 =	seq.s32 s5, $0x0;
	s5 =	sld [smem:$0x3FAB]  }
0x2b: {  	s6 =	sld [smem:$0x3FAC]  }
0x2c: {  	s7 =	sld [smem:$0x3FAD]  }
0x2d: {  	s3 =	simm.s32 $0x108;
	s8 =	sld [smem:$0x3FAE]  }
0x2e: {  	s3 =	simm.s32 @!p0 $0x1082;
	s9 =	sld [smem:$0x3FAF]  }
0x2f: {  	lr =	sadd.s32 s0, s3;
	s0 =	sld [smem:$0x3FA6]  }
0x30: {  	s3 =	sld [smem:$0x3FA9]  }
0x31: {  	[smem:$0x3FB2] =	sst s10  }
0x32: {  	s10 =	sld [smem:$0x3FB0];
	_ =	sdelay $0x3  }
0x33: {  	p0 =	seq.s32 s10, $0x1;
	s10 =	sld [smem:$0x3FB2];
	_ =	sdelay $0x3  }
0x34: {  	[smem:$0x3FB2] =	sst s10  }
0x35: {  	s10 =	sld [smem:$0x3FB1];
	_ =	sdelay $0x3  }
0x36: {  	p1 =	seq.s32 s10, $0x1;
	s10 =	sld [smem:$0x3FB2];
	_ =	sdelay $0x3  }
0x37: {  	[smem:$0x3FB2] =	sst s10  }
0x38: {  	s10 =	sld [smem:$0x3FB3]  }
0x39: {  	_ = 	snop;
	(pc) =	sbr.ind lr, $3  }
0x3a: {  	_ = 	snop  }
0x3b: {  	_ = 	snop  }
0x3c: {  	p2 =	seq.s32 s10, $0x1;
	s10 =	sld [smem:$0x3FB2]  }
0x3d: {  	_ =	shalt  }
0x3e: {  	_ =	shalt  }
0x3f: {  	_ =	shalt  }
0x40: {  	_ =	shalt  }
0x41: {  	_ =	shalt  }
0x42: {  	_ =	shalt  }
0x43: {  	_ =	shalt  }
0x44: {  	_ =	shalt  }
0x45: {  	_ =	shalt  }
0x46: {  	_ =	shalt  }
0x47: {  	_ =	shalt  }
0x48: {  	_ =	shalt  }
0x49: {  	_ =	shalt  }
0x4a: {  	_ =	shalt  }
0x4b: {  	_ =	shalt  }
0x4c: {  	_ =	shalt  }
0x4d: {  	_ =	shalt  }
0x4e: {  	_ =	shalt  }
0x4f: {  	_ =	shalt  }
0x50: {  	_ =	shalt  }
0x51: {  	_ =	shalt  }
0x52: {  	_ =	shalt  }
0x53: {  	_ =	shalt  }
0x54: {  	_ =	shalt  }
0x55: {  	_ =	shalt  }
0x56: {  	_ =	shalt  }
0x57: {  	_ =	shalt  }
0x58: {  	_ =	shalt  }
0x59: {  	_ =	shalt  }
0x5a: {  	_ =	shalt  }
0x5b: {  	_ =	shalt  }
0x5c: {  	_ =	shalt  }
0x5d: {  	_ =	shalt  }
0x5e: {  	_ =	shalt  }
0x5f: {  	_ =	shalt  }
0x60: {  	_ =	shalt  }
0x61: {  	_ =	shalt  }
0x62: {  	_ =	shalt  }
0x63: {  	_ =	shalt  }
0x64: {  	_ =	shalt  }
0x65: {  	_ =	shalt  }
0x66: {  	_ =	shalt  }
0x67: {  	_ =	shalt  }
0x68: {  	_ =	shalt  }
0x69: {  	_ =	shalt  }
0x6a: {  	_ =	shalt  }
0x6b: {  	_ =	shalt  }
0x6c: {  	_ =	shalt  }
0x6d: {  	_ =	shalt  }
0x6e: {  	_ =	shalt  }
0x6f: {  	_ =	shalt  }
0x70: {  	_ =	shalt  }
0x71: {  	_ =	shalt  }
0x72: {  	_ =	shalt  }
0x73: {  	_ =	shalt  }
0x74: {  	_ =	shalt  }
0x75: {  	_ =	shalt  }
0x76: {  	_ =	shalt  }
0x77: {  	_ =	shalt  }
0x78: {  	_ =	shalt  }
0x79: {  	_ =	shalt  }
0x7a: {  	_ =	shalt  }
0x7b: {  	_ =	shalt  }
0x7c: {  	_ =	shalt  }
0x7d: {  	_ =	shalt  }
0x7e: {  	_ =	shalt  }
0x7f: {  	_ =	shalt  }
0x80: {  	_ =	shalt  }
0x81: {  	_ =	shalt  }
0x82: {  	_ =	shalt  }
0x83: {  	_ =	shalt  }
0x84: {  	_ =	shalt  }
0x85: {  	_ =	shalt  }
0x86: {  	_ =	shalt  }
0x87: {  	_ =	shalt  }
.Lfunc_end0:
.L_simem_size_0:
called_computation.1_lowered:
.L_overlay_start_0:
0x88: {  	s2 =	sld [smem:$0x3FD9]  }
0x89: {  	s3 =	sld [smem:$0x3FFE];
	_ =	sdelay $0x1  }
0x8a: {  	s1 =	srdreg.scid  }
0x8b: {  	s0 =	sand.u32 $0x1, s1  }
0x8c: {  	s16 =	sshll.u32 s0, $0xA;
	s2 =	sadd.s32 s3, s2  }
0x8d: {  	s2 =	sadd.s32 s2, s16  }
0x8e: {  	[smem:$0x3FBE] =	sst s2  }
0x8f: {  	_ = 	snop  }
0x90: {  	(tm) =	ssettm $0x1  }
0x91: {  	s17 =	sld [smem:$0x3FFB];
	_ =	sdelay $0x3  }
0x92: {  	_ =	strace s17  }
0x93: {  	s2 =	sld [smem:$0x3FFC];
	_ =	sdelay $0x3  }
0x94: {  	_ =	strace s2  }
0x95: {  	s2 =	sld [smem:$0x3FFD];
	_ =	sdelay $0x3  }
0x96: {  	_ =	strace s2  }
0x97: {  	_ =	strace $0x8FFFFFFF  }
0x98: {  	s18 =	sld [smem:$0x3FDB];
	_ =	sdelay $0x1  }
0x99: {  	s19 =	simm.s32 $_scs_section_size  }
0x9a: {  	s4 =	simm.s32 $_size__tile_overlayer_lowered;
	s5 =	simm.s32 $_tile_overlayer_lowered  }
0x9b: {  	s22 =	simm.s32 $0x1BFF;
	s21 =	sshll.u32 s5, $0x1;
	s2 =	sadd.s32 s19, s18  }
0x9c: {  	s6 =	simm.s32 $0x0;
	s20 =	sshll.u32 s4, $0x1;
	s4 =	sadd.s32 s21, s2  }
0x9d: {  	[timem:s6], [sflag:s22] =	dma.local [hbm:s4], s20  }
0x9e: {  	_ =	swait.ge [sflag:s22], s20  }
0x9f: {  	s3 =	ssub.s32 $0x0, s20;
	[sflag:s22] =	ssyncset.done $0x0  }
0xa0: {  	[sflag:s22] =	ssyncadd.s32 s3;
	_ =	sdelay $0x1  }
0xa1: {  	s23 =	simm.s32 $0x1B8B  }
0xa2: {  	_ =	swait.ge [sflag:s23], $0x1  }
0xa3: {  	[sflag:s23] =	ssyncset.done $0x0  }
0xa4: {  	s25 =	simm.s32 $0x1B8E;
	s24 =	sld [smem:$0x3FFE];
	[sflag:s23] =	ssyncadd.s32 $0xFFFFFFFF  }
0xa5: {  	s26 =	simm.s32 $execute0_lowered;
	[smem:$0x3FD2] =	sst s25  }
0xa6: {  	s4 =	sshll.u32 s26, $0x1;
	_ =	strace $0x80000049;
	[dreg:$0x1] =	wrdreg $0xFFFFFFFF  }
0xa7: {  	s28 =	simm.s32 $_size_execute0_lowered;
	s2 =	sadd.s32 s2, s4;
	[dreg:$0x0] =	wrdreg $0x0  }
0xa8: {  	s4 =	sshll.u32 s28, $0x1;
	[dreg:$0x2] =	wrdreg s2  }
0xa9: {  	[dreg:$0x3] =	wrdreg s4  }
0xaa: {  	[dreg:$0x4] =	wrdreg $0xC0  }
0xab: {  	_ =	task [dreg:s6], $0x5FFFF  }
0xac: {  	[dreg:$0x1] =	wrdreg $0xFFFFFFFF  }
0xad: {  	[dreg:$0x0] =	wrdreg $0x60  }
0xae: {  	[dreg:$0x2] =	wrdreg s24  }
0xaf: {  	[dreg:$0x3] =	wrdreg $0xCD000  }
0xb0: {  	[dreg:$0x4] =	wrdreg $0x9  }
0xb1: {  	_ =	task.clear_ibuf [dreg:s6], $0x5FFFF;
	_ =	strace $0x90000049  }
0xb2: {  	s29 =	simm.s32 $0x9;
	_ =	strace $0x8000004B  }
0xb3: {  	_ =	swait.ge [sflag:s29], $0x1  }
0xb4: {  	[sflag:s29] =	ssyncadd.s32 $0xFFFFFFFF  }
0xb5: {  	_ =	strace $0x9000004B  }
0xb6: {  	_ =	sfence  }
0xb7: {  	s30 =	sld [smem:$0x0];
	_ =	sdelay $0x2  }
0xb8: {  	s31 =	sshll.u32 s1, $0xD;
	s1 =	sshrl.u32 s1, $0x2  }
0xb9: {  	s3 =	sand.u32 $0x4000, s31;
	s1 =	sadd.s32 s1, s30  }
0xba: {  	s0 =	sor.u32 s3, s0;
	s1 =	sshll.u32 s1, $0x11  }
0xbb: {  	s0 =	sor.u32 s1, s0  }
0xbc: {  	s0 =	sadd.s32 $0x8F2B, s0  }
0xbd: {  	[sflag:s0] =	ssyncadd.remote.s32 $0x1  }
0xbe: {  	_ =	sfence.sel $0xFFFF  }
0xbf: {  	[dreg:$0x0] =	wrdreg $0xFFFFFFFF;
	(pc) =	sbr.abs _section_cstart, $3  }
0xc0: {  	[dreg:$0x1] =	wrdreg $0xFFFFFFFF  }
0xc1: {  	_ =	task.clear_ibuf [dreg:s6], $0x2FFFF;
	_ =	strace $0x9FFFFFFF  }
0xc2: {  	(tm) =	ssettm $0x7FFFFFFF  }
0xc3: {  	_ =	shalt  }
tec
execute0_lowered:
.L_overlay_start_1:
0x0: {  	(tag) =	ssettag $0x1  }
0x1: {  	s0 =	srdreg.scid;
	s1 =	rddreg [dreg:$0x0]  }
0x2: {  	s13 =	stileid.u32;
	s2 =	rddreg [dreg:$0x1];
	s3 =	simm.s32 $0x0  }
0x3: {  	s15 =	simm.s32 $0x1;
	s16 =	simm.s32 $0x2;
	s17 =	simm.s32 $0x3  }
0x4: {  	s19 =	simm.s32 $0x7D;
	s20 =	simm.s32 $0x5000;
	s22 =	simm.s32 $0x6F40  }
0x5: {  	s24 =	simm.s32 $0x8E80;
	s28 =	simm.s32 $0xADC0;
	s30 =	simm.s32 $0x5  }
0x6: {  	s21 =	simm.s32 $0x6;
	s29 =	simm.s32 $0x9;
	s31 =	simm.s32 $0x0  }
0x7: {  	s0 =	sand.u32 $0x1, s0;
	s5 =	smul.u32 $0x2800, s13;
	[smem:$0x7FF] =	sst s3  }
0x8: {  	s10 =	smul.u32 $0x9C00, s13;
	s18 =	sadd.s32 $0x9C000, s2;
	p0 =	sne.s32 s13, $0xF  }
0x9: {  	s4 =	smul.u32 $0x28000, s0;
	_ =	strace $0x8000004A;
	s7 =	ssub.s32 $0x2, s0  }
0xa: {  	s0 =	smul.u32 $0x9C400, s0;
	s18 =	sshrl.u32 @!p0 s18, $0x3;
	s8 =	sshrl.u32 s7, $0x1  }
0xb: {  	s26 =	sadd.s32 s10, s2;
	s5 =	sadd.s32 s5, s4;
	s4 =	sadd.s32 $0x2400, s1  }
0xc: {  	s12 =	ssub.s32 s7, s8;
	s8 =	sshll.u32 s13, $0x6;
	s10 =	sadd.s32 s10, s0  }
0xd: {  	s0 =	sshrl.u32 s0, $0x3;
	s13 =	simm.s32 $0x2800;
	s14 =	sshrl.u32 s26, $0x3  }
0xe: {  	s26 =	simm.s32 $0x8;
	s5 =	sshrl.u32 s5, $0x3;
	s9 =	sor.u32 $0x1C03, s8  }
.Ltmp0:
0xf: {  	s10 =	sshrl.u32 s10, $0x3;
	s12 =	smax.u32 s12, $0x1;
	(pc) =	sbr.rel .LBB2_1-.Ltmp0, $4  }
0x10: {  	s6 =	sadd.s32 s5, s1;
	s5 =	sadd.s32 $0x33600, s1;
	s1 =	sadd.s32 $0x34A00, s1  }
0x11: {  	s25 =	sadd.s32 $0x70200, s6;
	s6 =	sadd.s32 $0x66200, s6;
	s0 =	sadd.s32 s1, s0  }
0x12: {  	s10 =	sadd.s32 s1, s10;
	s1 =	simm.s32 $0x4;
	[dreg:$0x3] =	wrdreg s25  }
0x13: {  	[dreg:$0x4] =	wrdreg s6;
	s11 =	sadd.s32 $0x13800, s0;
	s25 =	simm.s32 $0x7  }
.LBB2_4:
0x14: {  	_ =	swait.ge [sflag:s1], $0x1F40  }
0x15: {  	[sflag:s1] =	ssyncset.done $0x0  }
0x16: {  	[sflag:s1] =	ssyncadd.s32 $0xFFFFE0C0  }
0x17: {  	[spmem:s2] =	stream.indirect.scatter.add.f32 [tilespmem:s28], [sflag:$0x8], $0x40, s6, s19, $0xb8;
	[tilespmem:$0x16940] =	vst v63  }
0x18: {  	_ =	swait.ge [sflag:s30], $0x1F40  }
0x19: {  	[sflag:s30] =	ssyncset.done $0x0  }
0x1a: {  	[sflag:s30] =	ssyncadd.s32 $0xFFFFE0C0  }
0x1b: {  	_ =	swait.ge [sflag:s21], $0x1F40  }
0x1c: {  	[sflag:s21] =	ssyncset.done $0x0  }
0x1d: {  	[sflag:s21] =	ssyncadd.s32 $0xFFFFE0C0  }
0x1e: {  	_ =	swait.ge [sflag:s25], $0x1F40  }
0x1f: {  	[sflag:s25] =	ssyncset.done $0x0  }
0x20: {  	[sflag:s25] =	ssyncadd.s32 $0xFFFFE0C0  }
0x21: {  	_ =	swait.ge [sflag:s26], $0x1F40  }
0x22: {  	[sflag:s26] =	ssyncset.done $0x0  }
0x23: {  	[sflag:s26] =	ssyncadd.s32 $0xFFFFE0C0  }
0x24: {  	s0 =	sor.u32 $0x1C09, s8;
	[bflag:$0x0] =	sbarrier.arrive $0xFFFF  }
0x25: {  	[hbm:s10], [sflag:s0] =	dma.local [spmem:s14], $0x1380  }
0x26: {  	_ =	swait.ge [sflag:s29], $0x1380  }
0x27: {  	s31 =	sadd.s32 $0x1, s31;
	[sflag:s29] =	ssyncset.done $0x0  }
0x28: {  	p1 =	sne.s32 s31, s12;
	[sflag:s29] =	ssyncadd.s32 $0xFFFFEC80  }
0x29: {  	[hbm:s11], [sflag:s0] =	dma.local @!p0 [spmem:s18], $0x80  }
.Ltmp1:
0x2a: {  	_ = 	snop;
	(pc) =	sbr.rel @!p1 .LBB2_5-.Ltmp1, $4  }
0x2b: {  	s0 =	simm.s32 @!p0 $0x9  }
0x2c: {  	_ =	swait.ge @!p0 [sflag:s0], $0x80  }
0x2d: {  	[sflag:s0] =	ssyncset.done @!p0 $0x0  }
0x2e: {  	[sflag:s0] =	ssyncadd.s32 @!p0 $0xFFFFFF80  }
.LBB2_1:
0x2f: {  	s0 =	rddreg [dreg:$0x3]  }
0x30: {  	[tilespmem:s3], [sflag:$0x1] =	stream.linear.gather [hbm4b:s0+s3], $0x2800, $0x38;
	[tilespmem:$0x16940] =	vst v63  }
0x31: {  	s6 =	rddreg [dreg:$0x4]  }
0x32: {  	[tilespmem:s13], [sflag:$0x2] =	stream.linear.gather [hbm4b:s6+s3], $0x2800, $0x38;
	[tilespmem:$0x16940] =	vst v63  }
0x33: {  	[spmem:s14], [sflag:s9] =	dma.local [hbm:s5], $0x1380  }
0x34: {  	_ =	swait.ge [sflag:s15], $0x2800  }
0x35: {  	[sflag:s15] =	ssyncset.done $0x0  }
0x36: {  	[sflag:s15] =	ssyncadd.s32 $0xFFFFD800  }
0x37: {  	_ =	swait.ge [sflag:s16], $0x2800  }
0x38: {  	[sflag:s16] =	ssyncset.done $0x0  }
0x39: {  	[sflag:s16] =	ssyncadd.s32 $0xFFFFD800  }
0x3a: {  	_ =	swait.ge [sflag:s17], $0x1380  }
0x3b: {  	[sflag:s17] =	ssyncset.done $0x0  }
0x3c: {  	s0 =	simm.s32 @!p0 $0x1FC9;
	[sflag:s17] =	ssyncadd.s32 $0xFFFFEC80  }
0x3d: {  	[spmem:s18], [sflag:s0] =	dma.local @!p0 [hbm:s5], $0x80  }
0x3e: {  	s0 =	simm.s32 @!p0 $0x9  }
0x3f: {  	_ =	swait.ge @!p0 [sflag:s0], $0x80  }
0x40: {  	[sflag:s0] =	ssyncset.done @!p0 $0x0  }
0x41: {  	[sflag:s0] =	ssyncadd.s32 @!p0 $0xFFFFFF80  }
0x42: {  	[bflag:$0x0] =	sbarrier.arrive $0xFFFF  }
0x43: {  	[tilespmem:s20], [sflag:$0x1] =	stream.indirect.gather [hbm4b:s4+s19], $0x40, s3, s19, $0xb8;
	[tilespmem:$0x16940] =	vst v63  }
0x44: {  	s7 =	simm.s32 $0x80  }
0x45: {  	[tilespmem:s22], [sflag:$0x2] =	stream.indirect.gather [hbm4b:s4+s19], $0x40, s7, s19, $0xb8;
	[tilespmem:$0x16940] =	vst v63  }
0x46: {  	_ =	swait.ge [sflag:s15], $0x1F40  }
0x47: {  	[sflag:s15] =	ssyncset.done $0x0  }
0x48: {  	[sflag:s15] =	ssyncadd.s32 $0xFFFFE0C0  }
0x49: {  	[spmem:s2] =	stream.indirect.scatter.add.f32 [tilespmem:s20], [sflag:$0x5], $0x40, s13, s19, $0xb8;
	[tilespmem:$0x16940] =	vst v63  }
0x4a: {  	s23 =	simm.s32 $0x100  }
0x4b: {  	[tilespmem:s24], [sflag:$0x3] =	stream.indirect.gather [hbm4b:s4+s19], $0x40, s23, s19, $0xb8;
	[tilespmem:$0x16940] =	vst v63  }
0x4c: {  	_ =	swait.ge [sflag:s16], $0x1F40  }
0x4d: {  	[sflag:s16] =	ssyncset.done $0x0  }
0x4e: {  	s6 =	simm.s32 $0x2880;
	[sflag:s16] =	ssyncadd.s32 $0xFFFFE0C0  }
0x4f: {  	[spmem:s2] =	stream.indirect.scatter.add.f32 [tilespmem:s22], [sflag:$0x6], $0x40, s6, s19, $0xb8;
	[tilespmem:$0x16940] =	vst v63  }
0x50: {  	s7 =	simm.s32 $0x180  }
0x51: {  	[tilespmem:s28], [sflag:$0x4] =	stream.indirect.gather [hbm4b:s4+s19], $0x40, s7, s19, $0xb8;
	[tilespmem:$0x16940] =	vst v63  }
0x52: {  	_ =	swait.ge [sflag:s17], $0x1F40  }
0x53: {  	[sflag:s17] =	ssyncset.done $0x0  }
0x54: {  	s23 =	simm.s32 $0x2900;
	[sflag:s17] =	ssyncadd.s32 $0xFFFFE0C0  }
0x55: {  	[spmem:s2] =	stream.indirect.scatter.add.f32 [tilespmem:s24], [sflag:$0x7], $0x40, s23, s19, $0xb8;
	[tilespmem:$0x16940] =	vst v63  }
0x56: {  	_ =	swait.ge [sflag:s30], $0x1F40  }
0x57: {  	[sflag:s30] =	ssyncset.done $0x0  }
0x58: {  	s6 =	simm.s32 $0x200;
	[sflag:s30] =	ssyncadd.s32 $0xFFFFE0C0  }
0x59: {  	[tilespmem:s20], [sflag:$0x1] =	stream.indirect.gather [hbm4b:s4+s19], $0x40, s6, s19, $0xb8;
	[tilespmem:$0x16940] =	vst v63  }
0x5a: {  	_ =	swait.ge [sflag:s1], $0x1F40  }
0x5b: {  	[sflag:s1] =	ssyncset.done $0x0  }
0x5c: {  	s7 =	simm.s32 $0x2980;
	[sflag:s1] =	ssyncadd.s32 $0xFFFFE0C0  }
0x5d: {  	[spmem:s2] =	stream.indirect.scatter.add.f32 [tilespmem:s28], [sflag:$0x8], $0x40, s7, s19, $0xb8;
	[tilespmem:$0x16940] =	vst v63  }
0x5e: {  	_ =	swait.ge [sflag:s21], $0x1F40  }
0x5f: {  	[sflag:s21] =	ssyncset.done $0x0  }
0x60: {  	s0 =	simm.s32 $0x0;
	s23 =	simm.s32 $0x280;
	[sflag:s21] =	ssyncadd.s32 $0xFFFFE0C0  }
0x61: {  	[tilespmem:s22], [sflag:$0x2] =	stream.indirect.gather [hbm4b:s4+s19], $0x40, s23, s19, $0xb8;
	[tilespmem:$0x16940] =	vst v63  }
.LBB2_2:
0x62: {  	_ =	swait.ge [sflag:s15], $0x1F40  }
0x63: {  	s23 =	sshra.s32 s0, $0x2;
	[sflag:s15] =	ssyncset.done $0x0  }
0x64: {  	s6 =	sadd.s32 $0x2A00, s23;
	[sflag:s15] =	ssyncadd.s32 $0xFFFFE0C0  }
0x65: {  	[spmem:s2] =	stream.indirect.scatter.add.f32 [tilespmem:s20], [sflag:$0x5], $0x40, s6, s19, $0xb8;
	[tilespmem:$0x16940] =	vst v63  }
0x66: {  	_ =	swait.ge [sflag:s25], $0x1F40  }
0x67: {  	[sflag:s25] =	ssyncset.done $0x0  }
0x68: {  	s7 =	sadd.s32 $0x300, s23;
	[sflag:s25] =	ssyncadd.s32 $0xFFFFE0C0  }
0x69: {  	[tilespmem:s24], [sflag:$0x3] =	stream.indirect.gather [hbm4b:s4+s19], $0x40, s7, s19, $0xb8;
	[tilespmem:$0x16940] =	vst v63  }
0x6a: {  	_ =	swait.ge [sflag:s16], $0x1F40  }
0x6b: {  	[sflag:s16] =	ssyncset.done $0x0  }
0x6c: {  	s7 =	sadd.s32 $0x2A80, s23;
	[sflag:s16] =	ssyncadd.s32 $0xFFFFE0C0  }
0x6d: {  	[spmem:s2] =	stream.indirect.scatter.add.f32 [tilespmem:s22], [sflag:$0x6], $0x40, s7, s19, $0xb8;
	[tilespmem:$0x16940] =	vst v63  }
0x6e: {  	_ =	swait.ge [sflag:s26], $0x1F40  }
0x6f: {  	[sflag:s26] =	ssyncset.done $0x0  }
0x70: {  	p1 =	seq.s32 s0, $0x9000;
	s7 =	sadd.s32 $0x380, s23;
	[sflag:s26] =	ssyncadd.s32 $0xFFFFE0C0  }
0x71: {  	[tilespmem:s28], [sflag:$0x4] =	stream.indirect.gather [hbm4b:s4+s19], $0x40, s7, s19, $0xb8;
	[tilespmem:$0x16940] =	vst v63  }
.Ltmp2:
0x72: {  	_ = 	snop;
	(pc) =	sbr.rel @p1 .LBB2_4-.Ltmp2, $4  }
0x73: {  	_ =	swait.ge [sflag:s17], $0x1F40  }
0x74: {  	[sflag:s17] =	ssyncset.done $0x0  }
0x75: {  	s6 =	sadd.s32 $0x2B80, s23;
	s7 =	sadd.s32 $0x2B00, s23;
	[sflag:s17] =	ssyncadd.s32 $0xFFFFE0C0  }
0x76: {  	[spmem:s2] =	stream.indirect.scatter.add.f32 [tilespmem:s24], [sflag:$0x7], $0x40, s7, s19, $0xb8;
	[tilespmem:$0x16940] =	vst v63  }
0x77: {  	_ =	swait.ge [sflag:s30], $0x1F40  }
0x78: {  	[sflag:s30] =	ssyncset.done $0x0  }
0x79: {  	s7 =	sadd.s32 $0x400, s23;
	[sflag:s30] =	ssyncadd.s32 $0xFFFFE0C0  }
0x7a: {  	[tilespmem:s20], [sflag:$0x1] =	stream.indirect.gather [hbm4b:s4+s19], $0x40, s7, s19, $0xb8;
	[tilespmem:$0x16940] =	vst v63  }
0x7b: {  	_ =	swait.ge [sflag:s1], $0x1F40  }
0x7c: {  	[sflag:s1] =	ssyncset.done $0x0  }
0x7d: {  	[sflag:s1] =	ssyncadd.s32 $0xFFFFE0C0  }
0x7e: {  	[spmem:s2] =	stream.indirect.scatter.add.f32 [tilespmem:s28], [sflag:$0x8], $0x40, s6, s19, $0xb8;
	[tilespmem:$0x16940] =	vst v63  }
.Ltmp3:
0x7f: {  	_ = 	snop;
	(pc) =	sbr.rel .LBB2_2-.Ltmp3, $4  }
0x80: {  	_ =	swait.ge [sflag:s21], $0x1F40  }
0x81: {  	[sflag:s21] =	ssyncset.done $0x0  }
0x82: {  	s23 =	sadd.s32 $0x480, s23;
	s0 =	sadd.s32 $0x800, s0;
	[sflag:s21] =	ssyncadd.s32 $0xFFFFE0C0  }
0x83: {  	[tilespmem:s22], [sflag:$0x2] =	stream.indirect.gather [hbm4b:s4+s19], $0x40, s23, s19, $0xb8;
	[tilespmem:$0x16940] =	vst v63  }
.LBB2_5:
0x84: {  	_ =	sfence.sel $0x180000  }
0x85: {  	[bflag:$0x0] =	sbarrier.arrive $0xFFFF  }
0x86: {  	_ =	strace $0x9000004A  }
0x87: {  	s0 =	stileid.u32;
	[bflag:$0x2] =	sbarrier.arrive $0xFFFF  }
0x88: {  	p0 =	sne.s32 s0, $0x0;
	s0 =	rddreg [dreg:$0x2]  }
0x89: {  	s0 =	sadd.s32 @!p0 $0x100000, s0  }
0x8a: {  	[sflag:s0] =	ssyncadd.tile.s32 @!p0 $0x1;
	_ =	shalt  }
.Lfunc_end2:
_tile_overlayer_lowered:
.L_overlay_start_2:
0x8b: {  	(tag) =	ssettag $0x2  }
0x8c: {  	s0 =	rddreg [dreg:$0x0];
	s2 =	stileid.u32  }
0x8d: {  	s1 =	rddreg [dreg:$0x1];
	p0 =	sne.s32 s2, $0x0  }
0x8e: {  	s3 =	rddreg [dreg:$0x2];
	[bflag:$0x3] =	sbarrier.arrive $0xFFFF;
	s2 =	simm.s32 @!p0 $0x1C09  }
0x8f: {  	[timem:s3], [sflag:s2] =	dma.local @!p0 [hbm:s0], s1  }
0x90: {  	s0 =	simm.s32 @!p0 $0x9  }
0x91: {  	_ =	swait.ge @!p0 [sflag:s0], s1  }
0x92: {  	s1 =	ssub.s32 @!p0 $0x0, s1;
	[sflag:s0] =	ssyncset.done @!p0 $0x0  }
0x93: {  	[sflag:s0] =	ssyncadd.s32 @!p0 s1  }
0x94: {  	[bflag:$0x3] =	sbarrier.arrive $0xFFFF  }
0x95: {  	_ =	shalt  }

</sc_bundles>
